<compile_context>
chip_gen: v7x
topology: tpu7x:2x2x1
jax: 0.10.2.dev20260603
libtpu: 0.0.44.dev20260713+nightly
codegen_flags: <defaults>
</compile_context>

<pallas_src>
import functools

import jax
import jax.numpy as jnp
from jax import lax
from jax.experimental import pallas as pl
from jax.experimental.pallas import tpu as pltpu
from jax.experimental.pallas import tpu_sc as plsc

_B = 16384
_C = 1000
_N = 1000
_NP = 1024
_NC = 2
_NS = 16
_NW = _NC * _NS

_B_SC = 7168
_B_TC = _B - _B_SC
_BPW = _B_SC // _NW
_R = 16
_NCH = _BPW // _R

_BM = 1024
_TC_OFF = _B_SC // _BM

_mesh = plsc.VectorSubcoreMesh(core_axis_name="c", subcore_axis_name="s",
                               num_cores=_NC, num_subcores=_NS)


@functools.partial(
    pl.kernel,
    out_type=jax.ShapeDtypeStruct((_NW, 16), jnp.float32),
    mesh=_mesh,
    scratch_types=[
        pltpu.VMEM((_NCH, _R), jnp.int32),
        pltpu.VMEM((_R, _N), jnp.float32),
        pltpu.VMEM((_R, _N), jnp.float32),
        pltpu.VMEM((_R, _NP), jnp.float32),
        pltpu.VMEM((_R, _NP), jnp.float32),
        pltpu.VMEM((16,), jnp.float32),
        pltpu.SemaphoreType.DMA,
        pltpu.SemaphoreType.DMA,
        pltpu.SemaphoreType.DMA,
        pltpu.SemaphoreType.DMA,
    ],
)
def _sc_mse(x_hbm, y_hbm, ctr_hbm, out_hbm,
            idx_v, xc0, xc1, g0, g1, acc_v, si0, si1, sg0, sg1):
    xc = (xc0, xc1)
    g = (g0, g1)
    sem_in = (si0, si1)
    sem_g = (sg0, sg1)

    c = lax.axis_index("c")
    s = lax.axis_index("s")
    wid = c * _NS + s
    base = wid * _BPW
    lane = lax.broadcasted_iota(jnp.int32, (16,), 0)

    def ld_idx(j, carry):
        pltpu.sync_copy(y_hbm.at[pl.ds(base + j * _R, _R)], idx_v.at[j])
        return carry
    lax.fori_loop(0, _NCH, ld_idx, 0)

    acc_v[...] = jnp.zeros((16,), jnp.float32)

    for b in range(2):
        pltpu.async_copy(x_hbm.at[pl.ds(base + b * _R, _R)], xc[b], sem_in[b])
        pltpu.async_copy(ctr_hbm.at[idx_v.at[b]], g[b], sem_g[b])

    def pair(jj, carry):
        for b in range(2):
            j = jj * 2 + b
            pltpu.make_async_copy(
                x_hbm.at[pl.ds(base + j * _R, _R)], xc[b], sem_in[b]).wait()
            pltpu.make_async_copy(
                ctr_hbm.at[idx_v.at[j]], g[b], sem_g[b]).wait()

            def row(r, acc_r):
                def col(ci, acc_c):
                    vx = xc[b][r, pl.ds(ci * 16, 16)]
                    vg = g[b][r, pl.ds(ci * 16, 16)]
                    d = vx - vg
                    return acc_c + d * d
                acc_r = lax.fori_loop(0, 62, col, acc_r, unroll=8)
                tx = xc[b][r, pl.ds(_N - 16, 16)]
                tg = g[b][r, pl.ds(_N - 16, 16)]
                d = jnp.where(lane >= 8, tx - tg, 0.0)
                return acc_r + d * d
            acc = lax.fori_loop(0, _R, row, acc_v[...])
            acc_v[...] = acc

            @pl.when(j < _NCH - 2)
            def _prefetch():
                pltpu.async_copy(
                    x_hbm.at[pl.ds(base + (j + 2) * _R, _R)], xc[b],
                    sem_in[b])
                pltpu.async_copy(
                    ctr_hbm.at[idx_v.at[j + 2]], g[b], sem_g[b])
        return carry

    lax.fori_loop(0, _NCH // 2, pair, 0)

    pltpu.sync_copy(acc_v, out_hbm.at[wid])


def _tc_mse_kernel(x_ref, y_ref, centers_ref, out_ref):
    i = pl.program_id(0)

    y_blk = y_ref[pl.ds((_TC_OFF + i) * _BM, _BM), :]
    classes = lax.broadcasted_iota(jnp.int32, (_BM, _C), 1)
    onehot = (classes == y_blk).astype(jnp.float32)
    gathered = jnp.dot(onehot, centers_ref[...],
                       preferred_element_type=jnp.float32)
    d = x_ref[...] - gathered
    part = jnp.sum(d * d, axis=0, keepdims=True)

    @pl.when(i == 0)
    def _init():
        out_ref[...] = jnp.zeros_like(out_ref)

    out_ref[...] += part


def kernel(x, y, centers):
    y32 = y.astype(jnp.int32)
    ctr_p = jnp.pad(centers, ((0, 0), (0, _NP - _N)))
    sc_partials = _sc_mse(x, y32, ctr_p)

    y2d = y32.reshape(_B, 1)
    tc_total = pl.pallas_call(
        _tc_mse_kernel,
        grid=(_B_TC // _BM,),
        in_specs=[
            pl.BlockSpec((_BM, _N), lambda i: (_TC_OFF + i, 0)),
            pl.BlockSpec((_B, 1), lambda i: (0, 0)),
            pl.BlockSpec((_C, _N), lambda i: (0, 0)),
        ],
        out_specs=pl.BlockSpec((1, _N), lambda i: (0, 0)),
        out_shape=jax.ShapeDtypeStruct((1, _N), jnp.float32),
    )(x, y2d, centers)

    total = jnp.sum(sc_partials) + jnp.sum(tc_total)
    return (total * (1.0 / (_B * _N))).astype(jnp.float32)

# --- scband reference (transcript-rebuilt; emitter-appended) ---
"""Pipeline reference for scband-improved-center-loss-7413113553366 (READ-ONLY COPY).

The authoritative reference and input builder live on the scoring server;
editing this copy changes nothing except your own understanding.
"""

import jax, jax.numpy as jnp
import numpy as np

NUM_CLASSES = 1000
BATCH = 16384

def setup_inputs(seed: int = 0) -> dict:
    key = jax.random.key(seed)
    k1, k2, k3 = jax.random.split(key, 3)
    x = jax.random.normal(k1, (BATCH, NUM_CLASSES), dtype=jnp.float32)
    y = jax.random.randint(k2, (BATCH,), 0, NUM_CLASSES, dtype=jnp.int64)
    centers = jax.random.normal(k3, (NUM_CLASSES, NUM_CLASSES), dtype=jnp.float32) * 0.01
    return {"x": x, "y": y, "centers": centers}

def reference(x, y, centers):
    # center = self.centers[y]  (gather rows by label)
    center = jnp.take(centers, y, axis=0)
    # MSELoss with default 'mean' reduction
    diff = x - center
    loss = jnp.mean(diff * diff)
    return loss

if __name__ == "__main__":
    import jax
    _d = setup_inputs()
    print(jax.jit(kernel)(*tuple(_d.values())))

</pallas_src>

<mosaic_0001>
#map = affine_map<(d0, d1) -> (0, 0)>
#map1 = affine_map<(d0, d1) -> (0)>
module attributes {stable_mosaic.version = 14 : i64} {
  func.func @_sc_mse(%arg0: i32, %arg1: i32, %arg2: memref<16384x1000xf32, #tpu.memory_space<hbm>>, %arg3: memref<16384xi32, #tpu.memory_space<hbm>>, %arg4: memref<1000x1024xf32, #tpu.memory_space<hbm>>, %arg5: memref<32x16xf32, #tpu.memory_space<hbm>>, %arg6: memref<14x16xi32, #tpu.memory_space<vmem>>, %arg7: memref<16x1000xf32, #tpu.memory_space<vmem>>, %arg8: memref<16x1000xf32, #tpu.memory_space<vmem>>, %arg9: memref<16x1024xf32, #tpu.memory_space<vmem>>, %arg10: memref<16x1024xf32, #tpu.memory_space<vmem>>, %arg11: memref<16xf32, #tpu.memory_space<vmem>>, %arg12: memref<!tpu.dma_semaphore, #tpu.memory_space<semaphore_mem>>, %arg13: memref<!tpu.dma_semaphore, #tpu.memory_space<semaphore_mem>>, %arg14: memref<!tpu.dma_semaphore, #tpu.memory_space<semaphore_mem>>, %arg15: memref<!tpu.dma_semaphore, #tpu.memory_space<semaphore_mem>>) attributes {dimension_semantics = [#tpu.dimension_semantics<core_parallel>, #tpu.dimension_semantics<subcore_parallel>], iteration_bounds = array<i64: 2, 16>, scalar_prefetch = 0 : i64, scratch_operands = 10 : i64, tpu.core_type = #tpu.core_type<sc_vector_subcore>, window_params = [{transform_indices = #map}, {transform_indices = #map1}, {transform_indices = #map}, {transform_indices = #map}]} {
    %mul3A = arith.constant 16 : i32
    %mul3A_0 = arith.muli %arg0, %mul3A : i32
    %add3A = arith.addi %mul3A_0, %arg1 : i32
    %mul3A_1 = arith.constant 224 : i32
    %mul3A_2 = arith.muli %add3A, %mul3A_1 : i32
    %iota3A = tpu.iota {dimensions = array<i32: 0>} : vector<16xi32>
    %scan3A = arith.constant 0 : i32
    %scan3A_3 = arith.constant 0 : i32
    %scan3A_4 = arith.constant 14 : i32
    %scan3A_5 = arith.addi %scan3A_3, %scan3A_4 : i32
    %scan3A_6 = arith.constant 1 : i32
    scf.for %scan3A_43 = %scan3A_3 to %scan3A_5 step %scan3A_6  : i32 {
      %mul3A_44 = arith.constant 16 : i32
      %mul3A_45 = arith.muli %scan3A_43, %mul3A_44 : i32
      %add3A_46 = arith.addi %mul3A_2, %mul3A_45 : i32
      "tpu.region"() ({
        %run_scoped3A = tpu.sem_alloc : memref<!tpu.dma_semaphore, #tpu.memory_space<semaphore_mem>>
        %dma_start3A_47 = arith.constant 0 : i32
        %dma_start3A_48 = tpu.memref_slice %arg6[%scan3A_43, %dma_start3A_47] : memref<14x16xi32, #tpu.memory_space<vmem>> -> memref<1x16xi32, #tpu.memory_space<vmem>>
        %dma_start3A_49 = tpu.memref_squeeze %dma_start3A_48 : memref<1x16xi32, #tpu.memory_space<vmem>> -> memref<16xi32, #tpu.memory_space<vmem>>
        %dma_start3A_50 = tpu.memref_slice %arg3[%add3A_46] : memref<16384xi32, #tpu.memory_space<hbm>> -> memref<16xi32, #tpu.memory_space<hbm>>
        %dma_start3A_51 = arith.constant 0 : i32
        %dma_start3A_52 = tpu.memref_slice %arg6[%scan3A_43, %dma_start3A_51] : memref<14x16xi32, #tpu.memory_space<vmem>> -> memref<1x16xi32, #tpu.memory_space<vmem>>
        %dma_start3A_53 = tpu.memref_squeeze %dma_start3A_52 : memref<1x16xi32, #tpu.memory_space<vmem>> -> memref<16xi32, #tpu.memory_space<vmem>>
        %dma_start3A_54 = tpu.memref_slice %arg3[%add3A_46] : memref<16384xi32, #tpu.memory_space<hbm>> -> memref<16xi32, #tpu.memory_space<hbm>>
        tpu.enqueue_dma source(%dma_start3A_54 : memref<16xi32, #tpu.memory_space<hbm>>) target(%dma_start3A_53 : memref<16xi32, #tpu.memory_space<vmem>>) target_semaphore(%run_scoped3A : memref<!tpu.dma_semaphore, #tpu.memory_space<semaphore_mem>>)
        %dma_wait3A = arith.constant 0 : i32
        %dma_wait3A_55 = tpu.memref_slice %arg6[%scan3A_43, %dma_wait3A] : memref<14x16xi32, #tpu.memory_space<vmem>> -> memref<1x16xi32, #tpu.memory_space<vmem>>
        %dma_wait3A_56 = tpu.memref_squeeze %dma_wait3A_55 : memref<1x16xi32, #tpu.memory_space<vmem>> -> memref<16xi32, #tpu.memory_space<vmem>>
        %dma_wait3A_57 = tpu.memref_slice %arg3[%add3A_46] : memref<16384xi32, #tpu.memory_space<hbm>> -> memref<16xi32, #tpu.memory_space<hbm>>
        %dma_wait3A_58 = arith.constant 0 : i32
        %dma_wait3A_59 = tpu.memref_slice %arg6[%scan3A_43, %dma_wait3A_58] : memref<14x16xi32, #tpu.memory_space<vmem>> -> memref<1x16xi32, #tpu.memory_space<vmem>>
        %dma_wait3A_60 = tpu.memref_squeeze %dma_wait3A_59 : memref<1x16xi32, #tpu.memory_space<vmem>> -> memref<16xi32, #tpu.memory_space<vmem>>
        %dma_wait3A_61 = tpu.memref_slice %arg3[%add3A_46] : memref<16384xi32, #tpu.memory_space<hbm>> -> memref<16xi32, #tpu.memory_space<hbm>>
        tpu.wait_dma2 semaphore(%run_scoped3A : memref<!tpu.dma_semaphore, #tpu.memory_space<semaphore_mem>>) src(%dma_wait3A_61 : memref<16xi32, #tpu.memory_space<hbm>>) dst(%dma_wait3A_60 : memref<16xi32, #tpu.memory_space<vmem>>)
        tpu.yield
      }) : () -> ()
    }
    %scan3A_7 = arith.constant 14 : i32
    %broadcast_in_dim3A = arith.constant 0.000000e+00 : f32
    %broadcast_in_dim3A_8 = vector.broadcast %broadcast_in_dim3A : f32 to vector<16xf32>
    %swap3A = arith.constant 0 : index
    %swap3A_9 = tpu.vector_load %arg11[%swap3A] {strides = array<i32>} : memref<16xf32, #tpu.memory_space<vmem>>, vector<16xf32>,
    %swap3A_10 = vector.shape_cast %swap3A_9 : vector<16xf32> to vector<16xf32>
    %swap3A_11 = vector.shape_cast %broadcast_in_dim3A_8 : vector<16xf32> to vector<16xf32>
    tpu.vector_store %arg11[%swap3A], %swap3A_11 {strides = array<i32>} : memref<16xf32, #tpu.memory_space<vmem>>, vector<16xf32>,
    %add3A_12 = arith.constant 0 : i32
    %add3A_13 = arith.addi %mul3A_2, %add3A_12 : i32
    %dma_start3A = arith.constant 0 : i32
    %dma_start3A_14 = tpu.memref_slice %arg2[%add3A_13, %dma_start3A] : memref<16384x1000xf32, #tpu.memory_space<hbm>> -> memref<16x1000xf32, #tpu.memory_space<hbm>>
    %dma_start3A_15 = arith.constant 0 : i32
    %dma_start3A_16 = tpu.memref_slice %arg2[%add3A_13, %dma_start3A_15] : memref<16384x1000xf32, #tpu.memory_space<hbm>> -> memref<16x1000xf32, #tpu.memory_space<hbm>>
    tpu.enqueue_dma source(%dma_start3A_16 : memref<16x1000xf32, #tpu.memory_space<hbm>>) target(%arg7 : memref<16x1000xf32, #tpu.memory_space<vmem>>) target_semaphore(%arg12 : memref<!tpu.dma_semaphore, #tpu.memory_space<semaphore_mem>>)
    %dma_start3A_17 = arith.constant 0 : i32
    %dma_start3A_18 = arith.constant 0 : i32
    %dma_start3A_19 = tpu.memref_slice %arg6[%dma_start3A_17, %dma_start3A_18] : memref<14x16xi32, #tpu.memory_space<vmem>> -> memref<1x16xi32, #tpu.memory_space<vmem>>
    %dma_start3A_20 = tpu.memref_squeeze %dma_start3A_19 : memref<1x16xi32, #tpu.memory_space<vmem>> -> memref<16xi32, #tpu.memory_space<vmem>>
    %dma_start3A_21 = arith.constant 0 : i32
    %dma_start3A_22 = arith.constant 0 : i32
    %dma_start3A_23 = tpu.memref_slice %arg4[%dma_start3A_21, %dma_start3A_22] : memref<1000x1024xf32, #tpu.memory_space<hbm>> -> memref<1000x1024xf32, #tpu.memory_space<hbm>>
    tpu.enqueue_indirect_dma source(%dma_start3A_23 : memref<1000x1024xf32, #tpu.memory_space<hbm>>) target(%arg9 : memref<16x1024xf32, #tpu.memory_space<vmem>>) offsets(%dma_start3A_20 : memref<16xi32, #tpu.memory_space<vmem>>) semaphore(%arg14 : memref<!tpu.dma_semaphore, #tpu.memory_space<semaphore_mem>>)
    %add3A_24 = arith.constant 16 : i32
    %add3A_25 = arith.addi %mul3A_2, %add3A_24 : i32
    %dma_start3A_26 = arith.constant 0 : i32
    %dma_start3A_27 = tpu.memref_slice %arg2[%add3A_25, %dma_start3A_26] : memref<16384x1000xf32, #tpu.memory_space<hbm>> -> memref<16x1000xf32, #tpu.memory_space<hbm>>
    %dma_start3A_28 = arith.constant 0 : i32
    %dma_start3A_29 = tpu.memref_slice %arg2[%add3A_25, %dma_start3A_28] : memref<16384x1000xf32, #tpu.memory_space<hbm>> -> memref<16x1000xf32, #tpu.memory_space<hbm>>
    tpu.enqueue_dma source(%dma_start3A_29 : memref<16x1000xf32, #tpu.memory_space<hbm>>) target(%arg8 : memref<16x1000xf32, #tpu.memory_space<vmem>>) target_semaphore(%arg13 : memref<!tpu.dma_semaphore, #tpu.memory_space<semaphore_mem>>)
    %dma_start3A_30 = arith.constant 1 : i32
    %dma_start3A_31 = arith.constant 0 : i32
    %dma_start3A_32 = tpu.memref_slice %arg6[%dma_start3A_30, %dma_start3A_31] : memref<14x16xi32, #tpu.memory_space<vmem>> -> memref<1x16xi32, #tpu.memory_space<vmem>>
    %dma_start3A_33 = tpu.memref_squeeze %dma_start3A_32 : memref<1x16xi32, #tpu.memory_space<vmem>> -> memref<16xi32, #tpu.memory_space<vmem>>
    %dma_start3A_34 = arith.constant 0 : i32
    %dma_start3A_35 = arith.constant 0 : i32
    %dma_start3A_36 = tpu.memref_slice %arg4[%dma_start3A_34, %dma_start3A_35] : memref<1000x1024xf32, #tpu.memory_space<hbm>> -> memref<1000x1024xf32, #tpu.memory_space<hbm>>
    tpu.enqueue_indirect_dma source(%dma_start3A_36 : memref<1000x1024xf32, #tpu.memory_space<hbm>>) target(%arg10 : memref<16x1024xf32, #tpu.memory_space<vmem>>) offsets(%dma_start3A_33 : memref<16xi32, #tpu.memory_space<vmem>>) semaphore(%arg15 : memref<!tpu.dma_semaphore, #tpu.memory_space<semaphore_mem>>)
    %scan3A_37 = arith.constant 0 : i32
    %scan3A_38 = arith.constant 0 : i32
    %scan3A_39 = arith.constant 7 : i32
    %scan3A_40 = arith.addi %scan3A_38, %scan3A_39 : i32
    %scan3A_41 = arith.constant 1 : i32
    scf.for %scan3A_43 = %scan3A_38 to %scan3A_40 step %scan3A_41  : i32 {
      %mul3A_44 = arith.constant 2 : i32
      %mul3A_45 = arith.muli %scan3A_43, %mul3A_44 : i32
      %add3A_46 = arith.constant 0 : i32
      %add3A_47 = arith.addi %mul3A_45, %add3A_46 : i32
      %mul3A_48 = arith.constant 16 : i32
      %mul3A_49 = arith.muli %add3A_47, %mul3A_48 : i32
      %add3A_50 = arith.addi %mul3A_2, %mul3A_49 : i32
      %dma_wait3A = arith.constant 0 : i32
      %dma_wait3A_51 = tpu.memref_slice %arg2[%add3A_50, %dma_wait3A] : memref<16384x1000xf32, #tpu.memory_space<hbm>> -> memref<16x1000xf32, #tpu.memory_space<hbm>>
      %dma_wait3A_52 = arith.constant 0 : i32
      %dma_wait3A_53 = tpu.memref_slice %arg2[%add3A_50, %dma_wait3A_52] : memref<16384x1000xf32, #tpu.memory_space<hbm>> -> memref<16x1000xf32, #tpu.memory_space<hbm>>
      tpu.wait_dma2 semaphore(%arg12 : memref<!tpu.dma_semaphore, #tpu.memory_space<semaphore_mem>>) src(%dma_wait3A_53 : memref<16x1000xf32, #tpu.memory_space<hbm>>) dst(%arg7 : memref<16x1000xf32, #tpu.memory_space<vmem>>)
      %dma_wait3A_54 = arith.constant 0 : i32
      %dma_wait3A_55 = tpu.memref_slice %arg6[%add3A_47, %dma_wait3A_54] : memref<14x16xi32, #tpu.memory_space<vmem>> -> memref<1x16xi32, #tpu.memory_space<vmem>>
      %dma_wait3A_56 = tpu.memref_squeeze %dma_wait3A_55 : memref<1x16xi32, #tpu.memory_space<vmem>> -> memref<16xi32, #tpu.memory_space<vmem>>
      %dma_wait3A_57 = arith.constant 0 : i32
      %dma_wait3A_58 = arith.constant 0 : i32
      %dma_wait3A_59 = tpu.memref_slice %arg4[%dma_wait3A_57, %dma_wait3A_58] : memref<1000x1024xf32, #tpu.memory_space<hbm>> -> memref<1000x1024xf32, #tpu.memory_space<hbm>>
      tpu.wait_indirect_dma semaphore(%arg14 : memref<!tpu.dma_semaphore, #tpu.memory_space<semaphore_mem>>) src(%dma_wait3A_59 : memref<1000x1024xf32, #tpu.memory_space<hbm>>) dst(%arg9 : memref<16x1024xf32, #tpu.memory_space<vmem>>)
      %get3A = arith.constant 0 : index
      %get3A_60 = tpu.vector_load %arg11[%get3A] {strides = array<i32>} : memref<16xf32, #tpu.memory_space<vmem>>, vector<16xf32>,
      %get3A_61 = vector.shape_cast %get3A_60 : vector<16xf32> to vector<16xf32>
      %scan3A_62 = arith.constant 0 : i32
      %scan3A_63 = arith.constant 16 : i32
      %scan3A_64 = arith.addi %scan3A_62, %scan3A_63 : i32
      %scan3A_65 = arith.constant 1 : i32
      %scan3A_66 = scf.for %scan3A_109 = %scan3A_62 to %scan3A_64 step %scan3A_65 iter_args(%scan3A_110 = %get3A_61) -> (vector<16xf32>)  : i32 {
        %scan3A_111 = arith.constant 0 : i32
        %scan3A_112 = arith.constant 56 : i32
        %scan3A_113 = arith.addi %scan3A_111, %scan3A_112 : i32
        %scan3A_114 = arith.constant 8 : i32
        %scan3A_115 = scf.for %scan3A_232 = %scan3A_111 to %scan3A_113 step %scan3A_114 iter_args(%scan3A_233 = %scan3A_110) -> (vector<16xf32>)  : i32 {
          %mul3A_234 = arith.constant 16 : i32
          %mul3A_235 = arith.muli %scan3A_232, %mul3A_234 : i32
          %get3A_236 = arith.index_cast %scan3A_109 : i32 to index
          %get3A_237 = arith.index_cast %mul3A_235 : i32 to index
          %get3A_238 = tpu.vector_load %arg7[%get3A_236, %get3A_237] {strides = array<i32>} : memref<16x1000xf32, #tpu.memory_space<vmem>>, vector<1x16xf32>,
          %get3A_239 = vector.shape_cast %get3A_238 : vector<1x16xf32> to vector<16xf32>
          %mul3A_240 = arith.constant 16 : i32
          %mul3A_241 = arith.muli %scan3A_232, %mul3A_240 : i32
          %get3A_242 = arith.index_cast %scan3A_109 : i32 to index
          %get3A_243 = arith.index_cast %mul3A_241 : i32 to index
          %get3A_244 = tpu.vector_load %arg9[%get3A_242, %get3A_243] {strides = array<i32>} : memref<16x1024xf32, #tpu.memory_space<vmem>>, vector<1x16xf32>,
          %get3A_245 = vector.shape_cast %get3A_244 : vector<1x16xf32> to vector<16xf32>
          %sub3A_246 = arith.subf %get3A_239, %get3A_245 : vector<16xf32>
          %mul3A_247 = arith.mulf %sub3A_246, %sub3A_246 : vector<16xf32>
          %add3A_248 = arith.addf %scan3A_233, %mul3A_247 : vector<16xf32>
          %scan3A_249 = arith.constant 1 : i32
          %scan3A_250 = arith.addi %scan3A_232, %scan3A_249 : i32
          %mul3A_251 = arith.constant 16 : i32
          %mul3A_252 = arith.muli %scan3A_250, %mul3A_251 : i32
          %get3A_253 = arith.index_cast %scan3A_109 : i32 to index
          %get3A_254 = arith.index_cast %mul3A_252 : i32 to index
          %get3A_255 = tpu.vector_load %arg7[%get3A_253, %get3A_254] {strides = array<i32>} : memref<16x1000xf32, #tpu.memory_space<vmem>>, vector<1x16xf32>,
          %get3A_256 = vector.shape_cast %get3A_255 : vector<1x16xf32> to vector<16xf32>
          %mul3A_257 = arith.constant 16 : i32
          %mul3A_258 = arith.muli %scan3A_250, %mul3A_257 : i32
          %get3A_259 = arith.index_cast %scan3A_109 : i32 to index
          %get3A_260 = arith.index_cast %mul3A_258 : i32 to index
          %get3A_261 = tpu.vector_load %arg9[%get3A_259, %get3A_260] {strides = array<i32>} : memref<16x1024xf32, #tpu.memory_space<vmem>>, vector<1x16xf32>,
          %get3A_262 = vector.shape_cast %get3A_261 : vector<1x16xf32> to vector<16xf32>
          %sub3A_263 = arith.subf %get3A_256, %get3A_262 : vector<16xf32>
          %mul3A_264 = arith.mulf %sub3A_263, %sub3A_263 : vector<16xf32>
          %add3A_265 = arith.addf %add3A_248, %mul3A_264 : vector<16xf32>
          %scan3A_266 = arith.constant 2 : i32
          %scan3A_267 = arith.addi %scan3A_232, %scan3A_266 : i32
          %mul3A_268 = arith.constant 16 : i32
          %mul3A_269 = arith.muli %scan3A_267, %mul3A_268 : i32
          %get3A_270 = arith.index_cast %scan3A_109 : i32 to index
          %get3A_271 = arith.index_cast %mul3A_269 : i32 to index
          %get3A_272 = tpu.vector_load %arg7[%get3A_270, %get3A_271] {strides = array<i32>} : memref<16x1000xf32, #tpu.memory_space<vmem>>, vector<1x16xf32>,
          %get3A_273 = vector.shape_cast %get3A_272 : vector<1x16xf32> to vector<16xf32>
          %mul3A_274 = arith.constant 16 : i32
          %mul3A_275 = arith.muli %scan3A_267, %mul3A_274 : i32
          %get3A_276 = arith.index_cast %scan3A_109 : i32 to index
          %get3A_277 = arith.index_cast %mul3A_275 : i32 to index
          %get3A_278 = tpu.vector_load %arg9[%get3A_276, %get3A_277] {strides = array<i32>} : memref<16x1024xf32, #tpu.memory_space<vmem>>, vector<1x16xf32>,
          %get3A_279 = vector.shape_cast %get3A_278 : vector<1x16xf32> to vector<16xf32>
          %sub3A_280 = arith.subf %get3A_273, %get3A_279 : vector<16xf32>
          %mul3A_281 = arith.mulf %sub3A_280, %sub3A_280 : vector<16xf32>
          %add3A_282 = arith.addf %add3A_265, %mul3A_281 : vector<16xf32>
          %scan3A_283 = arith.constant 3 : i32
          %scan3A_284 = arith.addi %scan3A_232, %scan3A_283 : i32
          %mul3A_285 = arith.constant 16 : i32
          %mul3A_286 = arith.muli %scan3A_284, %mul3A_285 : i32
          %get3A_287 = arith.index_cast %scan3A_109 : i32 to index
          %get3A_288 = arith.index_cast %mul3A_286 : i32 to index
          %get3A_289 = tpu.vector_load %arg7[%get3A_287, %get3A_288] {strides = array<i32>} : memref<16x1000xf32, #tpu.memory_space<vmem>>, vector<1x16xf32>,
          %get3A_290 = vector.shape_cast %get3A_289 : vector<1x16xf32> to vector<16xf32>
          %mul3A_291 = arith.constant 16 : i32
          %mul3A_292 = arith.muli %scan3A_284, %mul3A_291 : i32
          %get3A_293 = arith.index_cast %scan3A_109 : i32 to index
          %get3A_294 = arith.index_cast %mul3A_292 : i32 to index
          %get3A_295 = tpu.vector_load %arg9[%get3A_293, %get3A_294] {strides = array<i32>} : memref<16x1024xf32, #tpu.memory_space<vmem>>, vector<1x16xf32>,
          %get3A_296 = vector.shape_cast %get3A_295 : vector<1x16xf32> to vector<16xf32>
          %sub3A_297 = arith.subf %get3A_290, %get3A_296 : vector<16xf32>
          %mul3A_298 = arith.mulf %sub3A_297, %sub3A_297 : vector<16xf32>
          %add3A_299 = arith.addf %add3A_282, %mul3A_298 : vector<16xf32>
          %scan3A_300 = arith.constant 4 : i32
          %scan3A_301 = arith.addi %scan3A_232, %scan3A_300 : i32
          %mul3A_302 = arith.constant 16 : i32
          %mul3A_303 = arith.muli %scan3A_301, %mul3A_302 : i32
          %get3A_304 = arith.index_cast %scan3A_109 : i32 to index
          %get3A_305 = arith.index_cast %mul3A_303 : i32 to index
          %get3A_306 = tpu.vector_load %arg7[%get3A_304, %get3A_305] {strides = array<i32>} : memref<16x1000xf32, #tpu.memory_space<vmem>>, vector<1x16xf32>,
          %get3A_307 = vector.shape_cast %get3A_306 : vector<1x16xf32> to vector<16xf32>
          %mul3A_308 = arith.constant 16 : i32
          %mul3A_309 = arith.muli %scan3A_301, %mul3A_308 : i32
          %get3A_310 = arith.index_cast %scan3A_109 : i32 to index
          %get3A_311 = arith.index_cast %mul3A_309 : i32 to index
          %get3A_312 = tpu.vector_load %arg9[%get3A_310, %get3A_311] {strides = array<i32>} : memref<16x1024xf32, #tpu.memory_space<vmem>>, vector<1x16xf32>,
          %get3A_313 = vector.shape_cast %get3A_312 : vector<1x16xf32> to vector<16xf32>
          %sub3A_314 = arith.subf %get3A_307, %get3A_313 : vector<16xf32>
          %mul3A_315 = arith.mulf %sub3A_314, %sub3A_314 : vector<16xf32>
          %add3A_316 = arith.addf %add3A_299, %mul3A_315 : vector<16xf32>
          %scan3A_317 = arith.constant 5 : i32
          %scan3A_318 = arith.addi %scan3A_232, %scan3A_317 : i32
          %mul3A_319 = arith.constant 16 : i32
          %mul3A_320 = arith.muli %scan3A_318, %mul3A_319 : i32
          %get3A_321 = arith.index_cast %scan3A_109 : i32 to index
          %get3A_322 = arith.index_cast %mul3A_320 : i32 to index
          %get3A_323 = tpu.vector_load %arg7[%get3A_321, %get3A_322] {strides = array<i32>} : memref<16x1000xf32, #tpu.memory_space<vmem>>, vector<1x16xf32>,
          %get3A_324 = vector.shape_cast %get3A_323 : vector<1x16xf32> to vector<16xf32>
          %mul3A_325 = arith.constant 16 : i32
          %mul3A_326 = arith.muli %scan3A_318, %mul3A_325 : i32
          %get3A_327 = arith.index_cast %scan3A_109 : i32 to index
          %get3A_328 = arith.index_cast %mul3A_326 : i32 to index
          %get3A_329 = tpu.vector_load %arg9[%get3A_327, %get3A_328] {strides = array<i32>} : memref<16x1024xf32, #tpu.memory_space<vmem>>, vector<1x16xf32>,
          %get3A_330 = vector.shape_cast %get3A_329 : vector<1x16xf32> to vector<16xf32>
          %sub3A_331 = arith.subf %get3A_324, %get3A_330 : vector<16xf32>
          %mul3A_332 = arith.mulf %sub3A_331, %sub3A_331 : vector<16xf32>
          %add3A_333 = arith.addf %add3A_316, %mul3A_332 : vector<16xf32>
          %scan3A_334 = arith.constant 6 : i32
          %scan3A_335 = arith.addi %scan3A_232, %scan3A_334 : i32
          %mul3A_336 = arith.constant 16 : i32
          %mul3A_337 = arith.muli %scan3A_335, %mul3A_336 : i32
          %get3A_338 = arith.index_cast %scan3A_109 : i32 to index
          %get3A_339 = arith.index_cast %mul3A_337 : i32 to index
          %get3A_340 = tpu.vector_load %arg7[%get3A_338, %get3A_339] {strides = array<i32>} : memref<16x1000xf32, #tpu.memory_space<vmem>>, vector<1x16xf32>,
          %get3A_341 = vector.shape_cast %get3A_340 : vector<1x16xf32> to vector<16xf32>
          %mul3A_342 = arith.constant 16 : i32
          %mul3A_343 = arith.muli %scan3A_335, %mul3A_342 : i32
          %get3A_344 = arith.index_cast %scan3A_109 : i32 to index
          %get3A_345 = arith.index_cast %mul3A_343 : i32 to index
          %get3A_346 = tpu.vector_load %arg9[%get3A_344, %get3A_345] {strides = array<i32>} : memref<16x1024xf32, #tpu.memory_space<vmem>>, vector<1x16xf32>,
          %get3A_347 = vector.shape_cast %get3A_346 : vector<1x16xf32> to vector<16xf32>
          %sub3A_348 = arith.subf %get3A_341, %get3A_347 : vector<16xf32>
          %mul3A_349 = arith.mulf %sub3A_348, %sub3A_348 : vector<16xf32>
          %add3A_350 = arith.addf %add3A_333, %mul3A_349 : vector<16xf32>
          %scan3A_351 = arith.constant 7 : i32
          %scan3A_352 = arith.addi %scan3A_232, %scan3A_351 : i32
          %mul3A_353 = arith.constant 16 : i32
          %mul3A_354 = arith.muli %scan3A_352, %mul3A_353 : i32
          %get3A_355 = arith.index_cast %scan3A_109 : i32 to index
          %get3A_356 = arith.index_cast %mul3A_354 : i32 to index
          %get3A_357 = tpu.vector_load %arg7[%get3A_355, %get3A_356] {strides = array<i32>} : memref<16x1000xf32, #tpu.memory_space<vmem>>, vector<1x16xf32>,
          %get3A_358 = vector.shape_cast %get3A_357 : vector<1x16xf32> to vector<16xf32>
          %mul3A_359 = arith.constant 16 : i32
          %mul3A_360 = arith.muli %scan3A_352, %mul3A_359 : i32
          %get3A_361 = arith.index_cast %scan3A_109 : i32 to index
          %get3A_362 = arith.index_cast %mul3A_360 : i32 to index
          %get3A_363 = tpu.vector_load %arg9[%get3A_361, %get3A_362] {strides = array<i32>} : memref<16x1024xf32, #tpu.memory_space<vmem>>, vector<1x16xf32>,
          %get3A_364 = vector.shape_cast %get3A_363 : vector<1x16xf32> to vector<16xf32>
          %sub3A_365 = arith.subf %get3A_358, %get3A_364 : vector<16xf32>
          %mul3A_366 = arith.mulf %sub3A_365, %sub3A_365 : vector<16xf32>
          %add3A_367 = arith.addf %add3A_350, %mul3A_366 : vector<16xf32>
          scf.yield %add3A_367 : vector<16xf32>
        }
        %scan3A_116 = arith.constant 56 : i32
        %scan3A_117 = arith.addi %scan3A_111, %scan3A_116 : i32
        %mul3A_118 = arith.constant 16 : i32
        %mul3A_119 = arith.muli %scan3A_117, %mul3A_118 : i32
        %get3A_120 = arith.index_cast %scan3A_109 : i32 to index
        %get3A_121 = arith.index_cast %mul3A_119 : i32 to index
        %get3A_122 = tpu.vector_load %arg7[%get3A_120, %get3A_121] {strides = array<i32>} : memref<16x1000xf32, #tpu.memory_space<vmem>>, vector<1x16xf32>,
        %get3A_123 = vector.shape_cast %get3A_122 : vector<1x16xf32> to vector<16xf32>
        %mul3A_124 = arith.constant 16 : i32
        %mul3A_125 = arith.muli %scan3A_117, %mul3A_124 : i32
        %get3A_126 = arith.index_cast %scan3A_109 : i32 to index
        %get3A_127 = arith.index_cast %mul3A_125 : i32 to index
        %get3A_128 = tpu.vector_load %arg9[%get3A_126, %get3A_127] {strides = array<i32>} : memref<16x1024xf32, #tpu.memory_space<vmem>>, vector<1x16xf32>,
        %get3A_129 = vector.shape_cast %get3A_128 : vector<1x16xf32> to vector<16xf32>
        %sub3A = arith.subf %get3A_123, %get3A_129 : vector<16xf32>
        %mul3A_130 = arith.mulf %sub3A, %sub3A : vector<16xf32>
        %add3A_131 = arith.addf %scan3A_115, %mul3A_130 : vector<16xf32>
        %scan3A_132 = arith.constant 57 : i32
        %scan3A_133 = arith.addi %scan3A_111, %scan3A_132 : i32
        %mul3A_134 = arith.constant 16 : i32
        %mul3A_135 = arith.muli %scan3A_133, %mul3A_134 : i32
        %get3A_136 = arith.index_cast %scan3A_109 : i32 to index
        %get3A_137 = arith.index_cast %mul3A_135 : i32 to index
        %get3A_138 = tpu.vector_load %arg7[%get3A_136, %get3A_137] {strides = array<i32>} : memref<16x1000xf32, #tpu.memory_space<vmem>>, vector<1x16xf32>,
        %get3A_139 = vector.shape_cast %get3A_138 : vector<1x16xf32> to vector<16xf32>
        %mul3A_140 = arith.constant 16 : i32
        %mul3A_141 = arith.muli %scan3A_133, %mul3A_140 : i32
        %get3A_142 = arith.index_cast %scan3A_109 : i32 to index
        %get3A_143 = arith.index_cast %mul3A_141 : i32 to index
        %get3A_144 = tpu.vector_load %arg9[%get3A_142, %get3A_143] {strides = array<i32>} : memref<16x1024xf32, #tpu.memory_space<vmem>>, vector<1x16xf32>,
        %get3A_145 = vector.shape_cast %get3A_144 : vector<1x16xf32> to vector<16xf32>
        %sub3A_146 = arith.subf %get3A_139, %get3A_145 : vector<16xf32>
        %mul3A_147 = arith.mulf %sub3A_146, %sub3A_146 : vector<16xf32>
        %add3A_148 = arith.addf %add3A_131, %mul3A_147 : vector<16xf32>
        %scan3A_149 = arith.constant 58 : i32
        %scan3A_150 = arith.addi %scan3A_111, %scan3A_149 : i32
        %mul3A_151 = arith.constant 16 : i32
        %mul3A_152 = arith.muli %scan3A_150, %mul3A_151 : i32
        %get3A_153 = arith.index_cast %scan3A_109 : i32 to index
        %get3A_154 = arith.index_cast %mul3A_152 : i32 to index
        %get3A_155 = tpu.vector_load %arg7[%get3A_153, %get3A_154] {strides = array<i32>} : memref<16x1000xf32, #tpu.memory_space<vmem>>, vector<1x16xf32>,
        %get3A_156 = vector.shape_cast %get3A_155 : vector<1x16xf32> to vector<16xf32>
        %mul3A_157 = arith.constant 16 : i32
        %mul3A_158 = arith.muli %scan3A_150, %mul3A_157 : i32
        %get3A_159 = arith.index_cast %scan3A_109 : i32 to index
        %get3A_160 = arith.index_cast %mul3A_158 : i32 to index
        %get3A_161 = tpu.vector_load %arg9[%get3A_159, %get3A_160] {strides = array<i32>} : memref<16x1024xf32, #tpu.memory_space<vmem>>, vector<1x16xf32>,
        %get3A_162 = vector.shape_cast %get3A_161 : vector<1x16xf32> to vector<16xf32>
        %sub3A_163 = arith.subf %get3A_156, %get3A_162 : vector<16xf32>
        %mul3A_164 = arith.mulf %sub3A_163, %sub3A_163 : vector<16xf32>
        %add3A_165 = arith.addf %add3A_148, %mul3A_164 : vector<16xf32>
        %scan3A_166 = arith.constant 59 : i32
        %scan3A_167 = arith.addi %scan3A_111, %scan3A_166 : i32
        %mul3A_168 = arith.constant 16 : i32
        %mul3A_169 = arith.muli %scan3A_167, %mul3A_168 : i32
        %get3A_170 = arith.index_cast %scan3A_109 : i32 to index
        %get3A_171 = arith.index_cast %mul3A_169 : i32 to index
        %get3A_172 = tpu.vector_load %arg7[%get3A_170, %get3A_171] {strides = array<i32>} : memref<16x1000xf32, #tpu.memory_space<vmem>>, vector<1x16xf32>,
        %get3A_173 = vector.shape_cast %get3A_172 : vector<1x16xf32> to vector<16xf32>
        %mul3A_174 = arith.constant 16 : i32
        %mul3A_175 = arith.muli %scan3A_167, %mul3A_174 : i32
        %get3A_176 = arith.index_cast %scan3A_109 : i32 to index
        %get3A_177 = arith.index_cast %mul3A_175 : i32 to index
        %get3A_178 = tpu.vector_load %arg9[%get3A_176, %get3A_177] {strides = array<i32>} : memref<16x1024xf32, #tpu.memory_space<vmem>>, vector<1x16xf32>,
        %get3A_179 = vector.shape_cast %get3A_178 : vector<1x16xf32> to vector<16xf32>
        %sub3A_180 = arith.subf %get3A_173, %get3A_179 : vector<16xf32>
        %mul3A_181 = arith.mulf %sub3A_180, %sub3A_180 : vector<16xf32>
        %add3A_182 = arith.addf %add3A_165, %mul3A_181 : vector<16xf32>
        %scan3A_183 = arith.constant 60 : i32
        %scan3A_184 = arith.addi %scan3A_111, %scan3A_183 : i32
        %mul3A_185 = arith.constant 16 : i32
        %mul3A_186 = arith.muli %scan3A_184, %mul3A_185 : i32
        %get3A_187 = arith.index_cast %scan3A_109 : i32 to index
        %get3A_188 = arith.index_cast %mul3A_186 : i32 to index
        %get3A_189 = tpu.vector_load %arg7[%get3A_187, %get3A_188] {strides = array<i32>} : memref<16x1000xf32, #tpu.memory_space<vmem>>, vector<1x16xf32>,
        %get3A_190 = vector.shape_cast %get3A_189 : vector<1x16xf32> to vector<16xf32>
        %mul3A_191 = arith.constant 16 : i32
        %mul3A_192 = arith.muli %scan3A_184, %mul3A_191 : i32
        %get3A_193 = arith.index_cast %scan3A_109 : i32 to index
        %get3A_194 = arith.index_cast %mul3A_192 : i32 to index
        %get3A_195 = tpu.vector_load %arg9[%get3A_193, %get3A_194] {strides = array<i32>} : memref<16x1024xf32, #tpu.memory_space<vmem>>, vector<1x16xf32>,
        %get3A_196 = vector.shape_cast %get3A_195 : vector<1x16xf32> to vector<16xf32>
        %sub3A_197 = arith.subf %get3A_190, %get3A_196 : vector<16xf32>
        %mul3A_198 = arith.mulf %sub3A_197, %sub3A_197 : vector<16xf32>
        %add3A_199 = arith.addf %add3A_182, %mul3A_198 : vector<16xf32>
        %scan3A_200 = arith.constant 61 : i32
        %scan3A_201 = arith.addi %scan3A_111, %scan3A_200 : i32
        %mul3A_202 = arith.constant 16 : i32
        %mul3A_203 = arith.muli %scan3A_201, %mul3A_202 : i32
        %get3A_204 = arith.index_cast %scan3A_109 : i32 to index
        %get3A_205 = arith.index_cast %mul3A_203 : i32 to index
        %get3A_206 = tpu.vector_load %arg7[%get3A_204, %get3A_205] {strides = array<i32>} : memref<16x1000xf32, #tpu.memory_space<vmem>>, vector<1x16xf32>,
        %get3A_207 = vector.shape_cast %get3A_206 : vector<1x16xf32> to vector<16xf32>
        %mul3A_208 = arith.constant 16 : i32
        %mul3A_209 = arith.muli %scan3A_201, %mul3A_208 : i32
        %get3A_210 = arith.index_cast %scan3A_109 : i32 to index
        %get3A_211 = arith.index_cast %mul3A_209 : i32 to index
        %get3A_212 = tpu.vector_load %arg9[%get3A_210, %get3A_211] {strides = array<i32>} : memref<16x1024xf32, #tpu.memory_space<vmem>>, vector<1x16xf32>,
        %get3A_213 = vector.shape_cast %get3A_212 : vector<1x16xf32> to vector<16xf32>
        %sub3A_214 = arith.subf %get3A_207, %get3A_213 : vector<16xf32>
        %mul3A_215 = arith.mulf %sub3A_214, %sub3A_214 : vector<16xf32>
        %add3A_216 = arith.addf %add3A_199, %mul3A_215 : vector<16xf32>
        %scan3A_217 = arith.constant 62 : i32
        %get3A_218 = arith.index_cast %scan3A_109 : i32 to index
        %get3A_219 = arith.constant 984 : index
        %get3A_220 = tpu.vector_load %arg7[%get3A_218, %get3A_219] {strides = array<i32>} : memref<16x1000xf32, #tpu.memory_space<vmem>>, vector<1x16xf32>,
        %get3A_221 = vector.shape_cast %get3A_220 : vector<1x16xf32> to vector<16xf32>
        %get3A_222 = arith.index_cast %scan3A_109 : i32 to index
        %get3A_223 = arith.constant 984 : index
        %get3A_224 = tpu.vector_load %arg9[%get3A_222, %get3A_223] {strides = array<i32>} : memref<16x1024xf32, #tpu.memory_space<vmem>>, vector<1x16xf32>,
        %get3A_225 = vector.shape_cast %get3A_224 : vector<1x16xf32> to vector<16xf32>
        %ge3A = arith.constant 8 : i32
        %ge3A_226 = vector.broadcast %ge3A : i32 to vector<16xi32>
        %ge3A_227 = arith.cmpi sge, %iota3A, %ge3A_226 : vector<16xi32>
        %sub3A_228 = arith.subf %get3A_221, %get3A_225 : vector<16xf32>
        %jit3A = arith.constant 0.000000e+00 : f32
        %broadcast_in_dim3A_229 = vector.broadcast %jit3A : f32 to vector<16xf32>
        %select_n3A = arith.select %ge3A_227, %sub3A_228, %broadcast_in_dim3A_229 : vector<16xi1>, vector<16xf32>
        %mul3A_230 = arith.mulf %select_n3A, %select_n3A : vector<16xf32>
        %add3A_231 = arith.addf %add3A_216, %mul3A_230 : vector<16xf32>
        scf.yield %add3A_231 : vector<16xf32>
      }
      %scan3A_67 = arith.constant 16 : i32
      %swap3A_68 = arith.constant 0 : index
      %swap3A_69 = tpu.vector_load %arg11[%swap3A_68] {strides = array<i32>} : memref<16xf32, #tpu.memory_space<vmem>>, vector<16xf32>,
      %swap3A_70 = vector.shape_cast %swap3A_69 : vector<16xf32> to vector<16xf32>
      %swap3A_71 = vector.shape_cast %scan3A_66 : vector<16xf32> to vector<16xf32>
      tpu.vector_store %arg11[%swap3A_68], %swap3A_71 {strides = array<i32>} : memref<16xf32, #tpu.memory_space<vmem>>, vector<16xf32>,
      %lt3A = arith.constant 12 : i32
      %lt3A_72 = arith.cmpi slt, %add3A_47, %lt3A : i32
      %convert_element_type3A = arith.extui %lt3A_72 : i1 to i32
      %cond3A = arith.constant 0 : i32
      %cond3A_73 = arith.cmpi ne, %convert_element_type3A, %cond3A : i32
      scf.if %cond3A_73 {
        %add3A_109 = arith.constant 2 : i32
        %add3A_110 = arith.addi %add3A_47, %add3A_109 : i32
        %mul3A_111 = arith.constant 16 : i32
        %mul3A_112 = arith.muli %add3A_110, %mul3A_111 : i32
        %add3A_113 = arith.addi %mul3A_2, %mul3A_112 : i32
        %dma_start3A_114 = arith.constant 0 : i32
        %dma_start3A_115 = tpu.memref_slice %arg2[%add3A_113, %dma_start3A_114] : memref<16384x1000xf32, #tpu.memory_space<hbm>> -> memref<16x1000xf32, #tpu.memory_space<hbm>>
        %dma_start3A_116 = arith.constant 0 : i32
        %dma_start3A_117 = tpu.memref_slice %arg2[%add3A_113, %dma_start3A_116] : memref<16384x1000xf32, #tpu.memory_space<hbm>> -> memref<16x1000xf32, #tpu.memory_space<hbm>>
        tpu.enqueue_dma source(%dma_start3A_117 : memref<16x1000xf32, #tpu.memory_space<hbm>>) target(%arg7 : memref<16x1000xf32, #tpu.memory_space<vmem>>) target_semaphore(%arg12 : memref<!tpu.dma_semaphore, #tpu.memory_space<semaphore_mem>>)
        %add3A_118 = arith.constant 2 : i32
        %add3A_119 = arith.addi %add3A_47, %add3A_118 : i32
        %dma_start3A_120 = arith.constant 0 : i32
        %dma_start3A_121 = tpu.memref_slice %arg6[%add3A_119, %dma_start3A_120] : memref<14x16xi32, #tpu.memory_space<vmem>> -> memref<1x16xi32, #tpu.memory_space<vmem>>
        %dma_start3A_122 = tpu.memref_squeeze %dma_start3A_121 : memref<1x16xi32, #tpu.memory_space<vmem>> -> memref<16xi32, #tpu.memory_space<vmem>>
        %dma_start3A_123 = arith.constant 0 : i32
        %dma_start3A_124 = arith.constant 0 : i32
        %dma_start3A_125 = tpu.memref_slice %arg4[%dma_start3A_123, %dma_start3A_124] : memref<1000x1024xf32, #tpu.memory_space<hbm>> -> memref<1000x1024xf32, #tpu.memory_space<hbm>>
        tpu.enqueue_indirect_dma source(%dma_start3A_125 : memref<1000x1024xf32, #tpu.memory_space<hbm>>) target(%arg9 : memref<16x1024xf32, #tpu.memory_space<vmem>>) offsets(%dma_start3A_122 : memref<16xi32, #tpu.memory_space<vmem>>) semaphore(%arg14 : memref<!tpu.dma_semaphore, #tpu.memory_space<semaphore_mem>>)
      } else {
      }
      %mul3A_74 = arith.constant 2 : i32
      %mul3A_75 = arith.muli %scan3A_43, %mul3A_74 : i32
      %add3A_76 = arith.constant 1 : i32
      %add3A_77 = arith.addi %mul3A_75, %add3A_76 : i32
      %mul3A_78 = arith.constant 16 : i32
      %mul3A_79 = arith.muli %add3A_77, %mul3A_78 : i32
      %add3A_80 = arith.addi %mul3A_2, %mul3A_79 : i32
      %dma_wait3A_81 = arith.constant 0 : i32
      %dma_wait3A_82 = tpu.memref_slice %arg2[%add3A_80, %dma_wait3A_81] : memref<16384x1000xf32, #tpu.memory_space<hbm>> -> memref<16x1000xf32, #tpu.memory_space<hbm>>
      %dma_wait3A_83 = arith.constant 0 : i32
      %dma_wait3A_84 = tpu.memref_slice %arg2[%add3A_80, %dma_wait3A_83] : memref<16384x1000xf32, #tpu.memory_space<hbm>> -> memref<16x1000xf32, #tpu.memory_space<hbm>>
      tpu.wait_dma2 semaphore(%arg13 : memref<!tpu.dma_semaphore, #tpu.memory_space<semaphore_mem>>) src(%dma_wait3A_84 : memref<16x1000xf32, #tpu.memory_space<hbm>>) dst(%arg8 : memref<16x1000xf32, #tpu.memory_space<vmem>>)
      %dma_wait3A_85 = arith.constant 0 : i32
      %dma_wait3A_86 = tpu.memref_slice %arg6[%add3A_77, %dma_wait3A_85] : memref<14x16xi32, #tpu.memory_space<vmem>> -> memref<1x16xi32, #tpu.memory_space<vmem>>
      %dma_wait3A_87 = tpu.memref_squeeze %dma_wait3A_86 : memref<1x16xi32, #tpu.memory_space<vmem>> -> memref<16xi32, #tpu.memory_space<vmem>>
      %dma_wait3A_88 = arith.constant 0 : i32
      %dma_wait3A_89 = arith.constant 0 : i32
      %dma_wait3A_90 = tpu.memref_slice %arg4[%dma_wait3A_88, %dma_wait3A_89] : memref<1000x1024xf32, #tpu.memory_space<hbm>> -> memref<1000x1024xf32, #tpu.memory_space<hbm>>
      tpu.wait_indirect_dma semaphore(%arg15 : memref<!tpu.dma_semaphore, #tpu.memory_space<semaphore_mem>>) src(%dma_wait3A_90 : memref<1000x1024xf32, #tpu.memory_space<hbm>>) dst(%arg10 : memref<16x1024xf32, #tpu.memory_space<vmem>>)
      %get3A_91 = arith.constant 0 : index
      %get3A_92 = tpu.vector_load %arg11[%get3A_91] {strides = array<i32>} : memref<16xf32, #tpu.memory_space<vmem>>, vector<16xf32>,
      %get3A_93 = vector.shape_cast %get3A_92 : vector<16xf32> to vector<16xf32>
      %scan3A_94 = arith.constant 0 : i32
      %scan3A_95 = arith.constant 16 : i32
      %scan3A_96 = arith.addi %scan3A_94, %scan3A_95 : i32
      %scan3A_97 = arith.constant 1 : i32
      %scan3A_98 = scf.for %scan3A_109 = %scan3A_94 to %scan3A_96 step %scan3A_97 iter_args(%scan3A_110 = %get3A_93) -> (vector<16xf32>)  : i32 {
        %scan3A_111 = arith.constant 0 : i32
        %scan3A_112 = arith.constant 56 : i32
        %scan3A_113 = arith.addi %scan3A_111, %scan3A_112 : i32
        %scan3A_114 = arith.constant 8 : i32
        %scan3A_115 = scf.for %scan3A_232 = %scan3A_111 to %scan3A_113 step %scan3A_114 iter_args(%scan3A_233 = %scan3A_110) -> (vector<16xf32>)  : i32 {
          %mul3A_234 = arith.constant 16 : i32
          %mul3A_235 = arith.muli %scan3A_232, %mul3A_234 : i32
          %get3A_236 = arith.index_cast %scan3A_109 : i32 to index
          %get3A_237 = arith.index_cast %mul3A_235 : i32 to index
          %get3A_238 = tpu.vector_load %arg8[%get3A_236, %get3A_237] {strides = array<i32>} : memref<16x1000xf32, #tpu.memory_space<vmem>>, vector<1x16xf32>,
          %get3A_239 = vector.shape_cast %get3A_238 : vector<1x16xf32> to vector<16xf32>
          %mul3A_240 = arith.constant 16 : i32
          %mul3A_241 = arith.muli %scan3A_232, %mul3A_240 : i32
          %get3A_242 = arith.index_cast %scan3A_109 : i32 to index
          %get3A_243 = arith.index_cast %mul3A_241 : i32 to index
          %get3A_244 = tpu.vector_load %arg10[%get3A_242, %get3A_243] {strides = array<i32>} : memref<16x1024xf32, #tpu.memory_space<vmem>>, vector<1x16xf32>,
          %get3A_245 = vector.shape_cast %get3A_244 : vector<1x16xf32> to vector<16xf32>
          %sub3A_246 = arith.subf %get3A_239, %get3A_245 : vector<16xf32>
          %mul3A_247 = arith.mulf %sub3A_246, %sub3A_246 : vector<16xf32>
          %add3A_248 = arith.addf %scan3A_233, %mul3A_247 : vector<16xf32>
          %scan3A_249 = arith.constant 1 : i32
          %scan3A_250 = arith.addi %scan3A_232, %scan3A_249 : i32
          %mul3A_251 = arith.constant 16 : i32
          %mul3A_252 = arith.muli %scan3A_250, %mul3A_251 : i32
          %get3A_253 = arith.index_cast %scan3A_109 : i32 to index
          %get3A_254 = arith.index_cast %mul3A_252 : i32 to index
          %get3A_255 = tpu.vector_load %arg8[%get3A_253, %get3A_254] {strides = array<i32>} : memref<16x1000xf32, #tpu.memory_space<vmem>>, vector<1x16xf32>,
          %get3A_256 = vector.shape_cast %get3A_255 : vector<1x16xf32> to vector<16xf32>
          %mul3A_257 = arith.constant 16 : i32
          %mul3A_258 = arith.muli %scan3A_250, %mul3A_257 : i32
          %get3A_259 = arith.index_cast %scan3A_109 : i32 to index
          %get3A_260 = arith.index_cast %mul3A_258 : i32 to index
          %get3A_261 = tpu.vector_load %arg10[%get3A_259, %get3A_260] {strides = array<i32>} : memref<16x1024xf32, #tpu.memory_space<vmem>>, vector<1x16xf32>,
          %get3A_262 = vector.shape_cast %get3A_261 : vector<1x16xf32> to vector<16xf32>
          %sub3A_263 = arith.subf %get3A_256, %get3A_262 : vector<16xf32>
          %mul3A_264 = arith.mulf %sub3A_263, %sub3A_263 : vector<16xf32>
          %add3A_265 = arith.addf %add3A_248, %mul3A_264 : vector<16xf32>
          %scan3A_266 = arith.constant 2 : i32
          %scan3A_267 = arith.addi %scan3A_232, %scan3A_266 : i32
          %mul3A_268 = arith.constant 16 : i32
          %mul3A_269 = arith.muli %scan3A_267, %mul3A_268 : i32
          %get3A_270 = arith.index_cast %scan3A_109 : i32 to index
          %get3A_271 = arith.index_cast %mul3A_269 : i32 to index
          %get3A_272 = tpu.vector_load %arg8[%get3A_270, %get3A_271] {strides = array<i32>} : memref<16x1000xf32, #tpu.memory_space<vmem>>, vector<1x16xf32>,
          %get3A_273 = vector.shape_cast %get3A_272 : vector<1x16xf32> to vector<16xf32>
          %mul3A_274 = arith.constant 16 : i32
          %mul3A_275 = arith.muli %scan3A_267, %mul3A_274 : i32
          %get3A_276 = arith.index_cast %scan3A_109 : i32 to index
          %get3A_277 = arith.index_cast %mul3A_275 : i32 to index
          %get3A_278 = tpu.vector_load %arg10[%get3A_276, %get3A_277] {strides = array<i32>} : memref<16x1024xf32, #tpu.memory_space<vmem>>, vector<1x16xf32>,
          %get3A_279 = vector.shape_cast %get3A_278 : vector<1x16xf32> to vector<16xf32>
          %sub3A_280 = arith.subf %get3A_273, %get3A_279 : vector<16xf32>
          %mul3A_281 = arith.mulf %sub3A_280, %sub3A_280 : vector<16xf32>
          %add3A_282 = arith.addf %add3A_265, %mul3A_281 : vector<16xf32>
          %scan3A_283 = arith.constant 3 : i32
          %scan3A_284 = arith.addi %scan3A_232, %scan3A_283 : i32
          %mul3A_285 = arith.constant 16 : i32
          %mul3A_286 = arith.muli %scan3A_284, %mul3A_285 : i32
          %get3A_287 = arith.index_cast %scan3A_109 : i32 to index
          %get3A_288 = arith.index_cast %mul3A_286 : i32 to index
          %get3A_289 = tpu.vector_load %arg8[%get3A_287, %get3A_288] {strides = array<i32>} : memref<16x1000xf32, #tpu.memory_space<vmem>>, vector<1x16xf32>,
          %get3A_290 = vector.shape_cast %get3A_289 : vector<1x16xf32> to vector<16xf32>
          %mul3A_291 = arith.constant 16 : i32
          %mul3A_292 = arith.muli %scan3A_284, %mul3A_291 : i32
          %get3A_293 = arith.index_cast %scan3A_109 : i32 to index
          %get3A_294 = arith.index_cast %mul3A_292 : i32 to index
          %get3A_295 = tpu.vector_load %arg10[%get3A_293, %get3A_294] {strides = array<i32>} : memref<16x1024xf32, #tpu.memory_space<vmem>>, vector<1x16xf32>,
          %get3A_296 = vector.shape_cast %get3A_295 : vector<1x16xf32> to vector<16xf32>
          %sub3A_297 = arith.subf %get3A_290, %get3A_296 : vector<16xf32>
          %mul3A_298 = arith.mulf %sub3A_297, %sub3A_297 : vector<16xf32>
          %add3A_299 = arith.addf %add3A_282, %mul3A_298 : vector<16xf32>
          %scan3A_300 = arith.constant 4 : i32
          %scan3A_301 = arith.addi %scan3A_232, %scan3A_300 : i32
          %mul3A_302 = arith.constant 16 : i32
          %mul3A_303 = arith.muli %scan3A_301, %mul3A_302 : i32
          %get3A_304 = arith.index_cast %scan3A_109 : i32 to index
          %get3A_305 = arith.index_cast %mul3A_303 : i32 to index
          %get3A_306 = tpu.vector_load %arg8[%get3A_304, %get3A_305] {strides = array<i32>} : memref<16x1000xf32, #tpu.memory_space<vmem>>, vector<1x16xf32>,
          %get3A_307 = vector.shape_cast %get3A_306 : vector<1x16xf32> to vector<16xf32>
          %mul3A_308 = arith.constant 16 : i32
          %mul3A_309 = arith.muli %scan3A_301, %mul3A_308 : i32
          %get3A_310 = arith.index_cast %scan3A_109 : i32 to index
          %get3A_311 = arith.index_cast %mul3A_309 : i32 to index
          %get3A_312 = tpu.vector_load %arg10[%get3A_310, %get3A_311] {strides = array<i32>} : memref<16x1024xf32, #tpu.memory_space<vmem>>, vector<1x16xf32>,
          %get3A_313 = vector.shape_cast %get3A_312 : vector<1x16xf32> to vector<16xf32>
          %sub3A_314 = arith.subf %get3A_307, %get3A_313 : vector<16xf32>
          %mul3A_315 = arith.mulf %sub3A_314, %sub3A_314 : vector<16xf32>
          %add3A_316 = arith.addf %add3A_299, %mul3A_315 : vector<16xf32>
          %scan3A_317 = arith.constant 5 : i32
          %scan3A_318 = arith.addi %scan3A_232, %scan3A_317 : i32
          %mul3A_319 = arith.constant 16 : i32
          %mul3A_320 = arith.muli %scan3A_318, %mul3A_319 : i32
          %get3A_321 = arith.index_cast %scan3A_109 : i32 to index
          %get3A_322 = arith.index_cast %mul3A_320 : i32 to index
          %get3A_323 = tpu.vector_load %arg8[%get3A_321, %get3A_322] {strides = array<i32>} : memref<16x1000xf32, #tpu.memory_space<vmem>>, vector<1x16xf32>,
          %get3A_324 = vector.shape_cast %get3A_323 : vector<1x16xf32> to vector<16xf32>
          %mul3A_325 = arith.constant 16 : i32
          %mul3A_326 = arith.muli %scan3A_318, %mul3A_325 : i32
          %get3A_327 = arith.index_cast %scan3A_109 : i32 to index
          %get3A_328 = arith.index_cast %mul3A_326 : i32 to index
          %get3A_329 = tpu.vector_load %arg10[%get3A_327, %get3A_328] {strides = array<i32>} : memref<16x1024xf32, #tpu.memory_space<vmem>>, vector<1x16xf32>,
          %get3A_330 = vector.shape_cast %get3A_329 : vector<1x16xf32> to vector<16xf32>
          %sub3A_331 = arith.subf %get3A_324, %get3A_330 : vector<16xf32>
          %mul3A_332 = arith.mulf %sub3A_331, %sub3A_331 : vector<16xf32>
          %add3A_333 = arith.addf %add3A_316, %mul3A_332 : vector<16xf32>
          %scan3A_334 = arith.constant 6 : i32
          %scan3A_335 = arith.addi %scan3A_232, %scan3A_334 : i32
          %mul3A_336 = arith.constant 16 : i32
          %mul3A_337 = arith.muli %scan3A_335, %mul3A_336 : i32
          %get3A_338 = arith.index_cast %scan3A_109 : i32 to index
          %get3A_339 = arith.index_cast %mul3A_337 : i32 to index
          %get3A_340 = tpu.vector_load %arg8[%get3A_338, %get3A_339] {strides = array<i32>} : memref<16x1000xf32, #tpu.memory_space<vmem>>, vector<1x16xf32>,
          %get3A_341 = vector.shape_cast %get3A_340 : vector<1x16xf32> to vector<16xf32>
          %mul3A_342 = arith.constant 16 : i32
          %mul3A_343 = arith.muli %scan3A_335, %mul3A_342 : i32
          %get3A_344 = arith.index_cast %scan3A_109 : i32 to index
          %get3A_345 = arith.index_cast %mul3A_343 : i32 to index
          %get3A_346 = tpu.vector_load %arg10[%get3A_344, %get3A_345] {strides = array<i32>} : memref<16x1024xf32, #tpu.memory_space<vmem>>, vector<1x16xf32>,
          %get3A_347 = vector.shape_cast %get3A_346 : vector<1x16xf32> to vector<16xf32>
          %sub3A_348 = arith.subf %get3A_341, %get3A_347 : vector<16xf32>
          %mul3A_349 = arith.mulf %sub3A_348, %sub3A_348 : vector<16xf32>
          %add3A_350 = arith.addf %add3A_333, %mul3A_349 : vector<16xf32>
          %scan3A_351 = arith.constant 7 : i32
          %scan3A_352 = arith.addi %scan3A_232, %scan3A_351 : i32
          %mul3A_353 = arith.constant 16 : i32
          %mul3A_354 = arith.muli %scan3A_352, %mul3A_353 : i32
          %get3A_355 = arith.index_cast %scan3A_109 : i32 to index
          %get3A_356 = arith.index_cast %mul3A_354 : i32 to index
          %get3A_357 = tpu.vector_load %arg8[%get3A_355, %get3A_356] {strides = array<i32>} : memref<16x1000xf32, #tpu.memory_space<vmem>>, vector<1x16xf32>,
          %get3A_358 = vector.shape_cast %get3A_357 : vector<1x16xf32> to vector<16xf32>
          %mul3A_359 = arith.constant 16 : i32
          %mul3A_360 = arith.muli %scan3A_352, %mul3A_359 : i32
          %get3A_361 = arith.index_cast %scan3A_109 : i32 to index
          %get3A_362 = arith.index_cast %mul3A_360 : i32 to index
          %get3A_363 = tpu.vector_load %arg10[%get3A_361, %get3A_362] {strides = array<i32>} : memref<16x1024xf32, #tpu.memory_space<vmem>>, vector<1x16xf32>,
          %get3A_364 = vector.shape_cast %get3A_363 : vector<1x16xf32> to vector<16xf32>
          %sub3A_365 = arith.subf %get3A_358, %get3A_364 : vector<16xf32>
          %mul3A_366 = arith.mulf %sub3A_365, %sub3A_365 : vector<16xf32>
          %add3A_367 = arith.addf %add3A_350, %mul3A_366 : vector<16xf32>
          scf.yield %add3A_367 : vector<16xf32>
        }
        %scan3A_116 = arith.constant 56 : i32
        %scan3A_117 = arith.addi %scan3A_111, %scan3A_116 : i32
        %mul3A_118 = arith.constant 16 : i32
        %mul3A_119 = arith.muli %scan3A_117, %mul3A_118 : i32
        %get3A_120 = arith.index_cast %scan3A_109 : i32 to index
        %get3A_121 = arith.index_cast %mul3A_119 : i32 to index
        %get3A_122 = tpu.vector_load %arg8[%get3A_120, %get3A_121] {strides = array<i32>} : memref<16x1000xf32, #tpu.memory_space<vmem>>, vector<1x16xf32>,
        %get3A_123 = vector.shape_cast %get3A_122 : vector<1x16xf32> to vector<16xf32>
        %mul3A_124 = arith.constant 16 : i32
        %mul3A_125 = arith.muli %scan3A_117, %mul3A_124 : i32
        %get3A_126 = arith.index_cast %scan3A_109 : i32 to index
        %get3A_127 = arith.index_cast %mul3A_125 : i32 to index
        %get3A_128 = tpu.vector_load %arg10[%get3A_126, %get3A_127] {strides = array<i32>} : memref<16x1024xf32, #tpu.memory_space<vmem>>, vector<1x16xf32>,
        %get3A_129 = vector.shape_cast %get3A_128 : vector<1x16xf32> to vector<16xf32>
        %sub3A = arith.subf %get3A_123, %get3A_129 : vector<16xf32>
        %mul3A_130 = arith.mulf %sub3A, %sub3A : vector<16xf32>
        %add3A_131 = arith.addf %scan3A_115, %mul3A_130 : vector<16xf32>
        %scan3A_132 = arith.constant 57 : i32
        %scan3A_133 = arith.addi %scan3A_111, %scan3A_132 : i32
        %mul3A_134 = arith.constant 16 : i32
        %mul3A_135 = arith.muli %scan3A_133, %mul3A_134 : i32
        %get3A_136 = arith.index_cast %scan3A_109 : i32 to index
        %get3A_137 = arith.index_cast %mul3A_135 : i32 to index
        %get3A_138 = tpu.vector_load %arg8[%get3A_136, %get3A_137] {strides = array<i32>} : memref<16x1000xf32, #tpu.memory_space<vmem>>, vector<1x16xf32>,
        %get3A_139 = vector.shape_cast %get3A_138 : vector<1x16xf32> to vector<16xf32>
        %mul3A_140 = arith.constant 16 : i32
        %mul3A_141 = arith.muli %scan3A_133, %mul3A_140 : i32
        %get3A_142 = arith.index_cast %scan3A_109 : i32 to index
        %get3A_143 = arith.index_cast %mul3A_141 : i32 to index
        %get3A_144 = tpu.vector_load %arg10[%get3A_142, %get3A_143] {strides = array<i32>} : memref<16x1024xf32, #tpu.memory_space<vmem>>, vector<1x16xf32>,
        %get3A_145 = vector.shape_cast %get3A_144 : vector<1x16xf32> to vector<16xf32>
        %sub3A_146 = arith.subf %get3A_139, %get3A_145 : vector<16xf32>
        %mul3A_147 = arith.mulf %sub3A_146, %sub3A_146 : vector<16xf32>
        %add3A_148 = arith.addf %add3A_131, %mul3A_147 : vector<16xf32>
        %scan3A_149 = arith.constant 58 : i32
        %scan3A_150 = arith.addi %scan3A_111, %scan3A_149 : i32
        %mul3A_151 = arith.constant 16 : i32
        %mul3A_152 = arith.muli %scan3A_150, %mul3A_151 : i32
        %get3A_153 = arith.index_cast %scan3A_109 : i32 to index
        %get3A_154 = arith.index_cast %mul3A_152 : i32 to index
        %get3A_155 = tpu.vector_load %arg8[%get3A_153, %get3A_154] {strides = array<i32>} : memref<16x1000xf32, #tpu.memory_space<vmem>>, vector<1x16xf32>,
        %get3A_156 = vector.shape_cast %get3A_155 : vector<1x16xf32> to vector<16xf32>
        %mul3A_157 = arith.constant 16 : i32
        %mul3A_158 = arith.muli %scan3A_150, %mul3A_157 : i32
        %get3A_159 = arith.index_cast %scan3A_109 : i32 to index
        %get3A_160 = arith.index_cast %mul3A_158 : i32 to index
        %get3A_161 = tpu.vector_load %arg10[%get3A_159, %get3A_160] {strides = array<i32>} : memref<16x1024xf32, #tpu.memory_space<vmem>>, vector<1x16xf32>,
        %get3A_162 = vector.shape_cast %get3A_161 : vector<1x16xf32> to vector<16xf32>
        %sub3A_163 = arith.subf %get3A_156, %get3A_162 : vector<16xf32>
        %mul3A_164 = arith.mulf %sub3A_163, %sub3A_163 : vector<16xf32>
        %add3A_165 = arith.addf %add3A_148, %mul3A_164 : vector<16xf32>
        %scan3A_166 = arith.constant 59 : i32
        %scan3A_167 = arith.addi %scan3A_111, %scan3A_166 : i32
        %mul3A_168 = arith.constant 16 : i32
        %mul3A_169 = arith.muli %scan3A_167, %mul3A_168 : i32
        %get3A_170 = arith.index_cast %scan3A_109 : i32 to index
        %get3A_171 = arith.index_cast %mul3A_169 : i32 to index
        %get3A_172 = tpu.vector_load %arg8[%get3A_170, %get3A_171] {strides = array<i32>} : memref<16x1000xf32, #tpu.memory_space<vmem>>, vector<1x16xf32>,
        %get3A_173 = vector.shape_cast %get3A_172 : vector<1x16xf32> to vector<16xf32>
        %mul3A_174 = arith.constant 16 : i32
        %mul3A_175 = arith.muli %scan3A_167, %mul3A_174 : i32
        %get3A_176 = arith.index_cast %scan3A_109 : i32 to index
        %get3A_177 = arith.index_cast %mul3A_175 : i32 to index
        %get3A_178 = tpu.vector_load %arg10[%get3A_176, %get3A_177] {strides = array<i32>} : memref<16x1024xf32, #tpu.memory_space<vmem>>, vector<1x16xf32>,
        %get3A_179 = vector.shape_cast %get3A_178 : vector<1x16xf32> to vector<16xf32>
        %sub3A_180 = arith.subf %get3A_173, %get3A_179 : vector<16xf32>
        %mul3A_181 = arith.mulf %sub3A_180, %sub3A_180 : vector<16xf32>
        %add3A_182 = arith.addf %add3A_165, %mul3A_181 : vector<16xf32>
        %scan3A_183 = arith.constant 60 : i32
        %scan3A_184 = arith.addi %scan3A_111, %scan3A_183 : i32
        %mul3A_185 = arith.constant 16 : i32
        %mul3A_186 = arith.muli %scan3A_184, %mul3A_185 : i32
        %get3A_187 = arith.index_cast %scan3A_109 : i32 to index
        %get3A_188 = arith.index_cast %mul3A_186 : i32 to index
        %get3A_189 = tpu.vector_load %arg8[%get3A_187, %get3A_188] {strides = array<i32>} : memref<16x1000xf32, #tpu.memory_space<vmem>>, vector<1x16xf32>,
        %get3A_190 = vector.shape_cast %get3A_189 : vector<1x16xf32> to vector<16xf32>
        %mul3A_191 = arith.constant 16 : i32
        %mul3A_192 = arith.muli %scan3A_184, %mul3A_191 : i32
        %get3A_193 = arith.index_cast %scan3A_109 : i32 to index
        %get3A_194 = arith.index_cast %mul3A_192 : i32 to index
        %get3A_195 = tpu.vector_load %arg10[%get3A_193, %get3A_194] {strides = array<i32>} : memref<16x1024xf32, #tpu.memory_space<vmem>>, vector<1x16xf32>,
        %get3A_196 = vector.shape_cast %get3A_195 : vector<1x16xf32> to vector<16xf32>
        %sub3A_197 = arith.subf %get3A_190, %get3A_196 : vector<16xf32>
        %mul3A_198 = arith.mulf %sub3A_197, %sub3A_197 : vector<16xf32>
        %add3A_199 = arith.addf %add3A_182, %mul3A_198 : vector<16xf32>
        %scan3A_200 = arith.constant 61 : i32
        %scan3A_201 = arith.addi %scan3A_111, %scan3A_200 : i32
        %mul3A_202 = arith.constant 16 : i32
        %mul3A_203 = arith.muli %scan3A_201, %mul3A_202 : i32
        %get3A_204 = arith.index_cast %scan3A_109 : i32 to index
        %get3A_205 = arith.index_cast %mul3A_203 : i32 to index
        %get3A_206 = tpu.vector_load %arg8[%get3A_204, %get3A_205] {strides = array<i32>} : memref<16x1000xf32, #tpu.memory_space<vmem>>, vector<1x16xf32>,
        %get3A_207 = vector.shape_cast %get3A_206 : vector<1x16xf32> to vector<16xf32>
        %mul3A_208 = arith.constant 16 : i32
        %mul3A_209 = arith.muli %scan3A_201, %mul3A_208 : i32
        %get3A_210 = arith.index_cast %scan3A_109 : i32 to index
        %get3A_211 = arith.index_cast %mul3A_209 : i32 to index
        %get3A_212 = tpu.vector_load %arg10[%get3A_210, %get3A_211] {strides = array<i32>} : memref<16x1024xf32, #tpu.memory_space<vmem>>, vector<1x16xf32>,
        %get3A_213 = vector.shape_cast %get3A_212 : vector<1x16xf32> to vector<16xf32>
        %sub3A_214 = arith.subf %get3A_207, %get3A_213 : vector<16xf32>
        %mul3A_215 = arith.mulf %sub3A_214, %sub3A_214 : vector<16xf32>
        %add3A_216 = arith.addf %add3A_199, %mul3A_215 : vector<16xf32>
        %scan3A_217 = arith.constant 62 : i32
        %get3A_218 = arith.index_cast %scan3A_109 : i32 to index
        %get3A_219 = arith.constant 984 : index
        %get3A_220 = tpu.vector_load %arg8[%get3A_218, %get3A_219] {strides = array<i32>} : memref<16x1000xf32, #tpu.memory_space<vmem>>, vector<1x16xf32>,
        %get3A_221 = vector.shape_cast %get3A_220 : vector<1x16xf32> to vector<16xf32>
        %get3A_222 = arith.index_cast %scan3A_109 : i32 to index
        %get3A_223 = arith.constant 984 : index
        %get3A_224 = tpu.vector_load %arg10[%get3A_222, %get3A_223] {strides = array<i32>} : memref<16x1024xf32, #tpu.memory_space<vmem>>, vector<1x16xf32>,
        %get3A_225 = vector.shape_cast %get3A_224 : vector<1x16xf32> to vector<16xf32>
        %ge3A = arith.constant 8 : i32
        %ge3A_226 = vector.broadcast %ge3A : i32 to vector<16xi32>
        %ge3A_227 = arith.cmpi sge, %iota3A, %ge3A_226 : vector<16xi32>
        %sub3A_228 = arith.subf %get3A_221, %get3A_225 : vector<16xf32>
        %jit3A = arith.constant 0.000000e+00 : f32
        %broadcast_in_dim3A_229 = vector.broadcast %jit3A : f32 to vector<16xf32>
        %select_n3A = arith.select %ge3A_227, %sub3A_228, %broadcast_in_dim3A_229 : vector<16xi1>, vector<16xf32>
        %mul3A_230 = arith.mulf %select_n3A, %select_n3A : vector<16xf32>
        %add3A_231 = arith.addf %add3A_216, %mul3A_230 : vector<16xf32>
        scf.yield %add3A_231 : vector<16xf32>
      }
      %scan3A_99 = arith.constant 16 : i32
      %swap3A_100 = arith.constant 0 : index
      %swap3A_101 = tpu.vector_load %arg11[%swap3A_100] {strides = array<i32>} : memref<16xf32, #tpu.memory_space<vmem>>, vector<16xf32>,
      %swap3A_102 = vector.shape_cast %swap3A_101 : vector<16xf32> to vector<16xf32>
      %swap3A_103 = vector.shape_cast %scan3A_98 : vector<16xf32> to vector<16xf32>
      tpu.vector_store %arg11[%swap3A_100], %swap3A_103 {strides = array<i32>} : memref<16xf32, #tpu.memory_space<vmem>>, vector<16xf32>,
      %lt3A_104 = arith.constant 12 : i32
      %lt3A_105 = arith.cmpi slt, %add3A_77, %lt3A_104 : i32
      %convert_element_type3A_106 = arith.extui %lt3A_105 : i1 to i32
      %cond3A_107 = arith.constant 0 : i32
      %cond3A_108 = arith.cmpi ne, %convert_element_type3A_106, %cond3A_107 : i32
      scf.if %cond3A_108 {
        %add3A_109 = arith.constant 2 : i32
        %add3A_110 = arith.addi %add3A_77, %add3A_109 : i32
        %mul3A_111 = arith.constant 16 : i32
        %mul3A_112 = arith.muli %add3A_110, %mul3A_111 : i32
        %add3A_113 = arith.addi %mul3A_2, %mul3A_112 : i32
        %dma_start3A_114 = arith.constant 0 : i32
        %dma_start3A_115 = tpu.memref_slice %arg2[%add3A_113, %dma_start3A_114] : memref<16384x1000xf32, #tpu.memory_space<hbm>> -> memref<16x1000xf32, #tpu.memory_space<hbm>>
        %dma_start3A_116 = arith.constant 0 : i32
        %dma_start3A_117 = tpu.memref_slice %arg2[%add3A_113, %dma_start3A_116] : memref<16384x1000xf32, #tpu.memory_space<hbm>> -> memref<16x1000xf32, #tpu.memory_space<hbm>>
        tpu.enqueue_dma source(%dma_start3A_117 : memref<16x1000xf32, #tpu.memory_space<hbm>>) target(%arg8 : memref<16x1000xf32, #tpu.memory_space<vmem>>) target_semaphore(%arg13 : memref<!tpu.dma_semaphore, #tpu.memory_space<semaphore_mem>>)
        %add3A_118 = arith.constant 2 : i32
        %add3A_119 = arith.addi %add3A_77, %add3A_118 : i32
        %dma_start3A_120 = arith.constant 0 : i32
        %dma_start3A_121 = tpu.memref_slice %arg6[%add3A_119, %dma_start3A_120] : memref<14x16xi32, #tpu.memory_space<vmem>> -> memref<1x16xi32, #tpu.memory_space<vmem>>
        %dma_start3A_122 = tpu.memref_squeeze %dma_start3A_121 : memref<1x16xi32, #tpu.memory_space<vmem>> -> memref<16xi32, #tpu.memory_space<vmem>>
        %dma_start3A_123 = arith.constant 0 : i32
        %dma_start3A_124 = arith.constant 0 : i32
        %dma_start3A_125 = tpu.memref_slice %arg4[%dma_start3A_123, %dma_start3A_124] : memref<1000x1024xf32, #tpu.memory_space<hbm>> -> memref<1000x1024xf32, #tpu.memory_space<hbm>>
        tpu.enqueue_indirect_dma source(%dma_start3A_125 : memref<1000x1024xf32, #tpu.memory_space<hbm>>) target(%arg10 : memref<16x1024xf32, #tpu.memory_space<vmem>>) offsets(%dma_start3A_122 : memref<16xi32, #tpu.memory_space<vmem>>) semaphore(%arg15 : memref<!tpu.dma_semaphore, #tpu.memory_space<semaphore_mem>>)
      } else {
      }
    }
    %scan3A_42 = arith.constant 7 : i32
    "tpu.region"() ({
      %run_scoped3A = tpu.sem_alloc : memref<!tpu.dma_semaphore, #tpu.memory_space<semaphore_mem>>
      %dma_start3A_43 = arith.constant 0 : i32
      %dma_start3A_44 = tpu.memref_slice %arg5[%add3A, %dma_start3A_43] : memref<32x16xf32, #tpu.memory_space<hbm>> -> memref<1x16xf32, #tpu.memory_space<hbm>>
      %dma_start3A_45 = tpu.memref_squeeze %dma_start3A_44 : memref<1x16xf32, #tpu.memory_space<hbm>> -> memref<16xf32, #tpu.memory_space<hbm>>
      %dma_start3A_46 = arith.constant 0 : i32
      %dma_start3A_47 = tpu.memref_slice %arg5[%add3A, %dma_start3A_46] : memref<32x16xf32, #tpu.memory_space<hbm>> -> memref<1x16xf32, #tpu.memory_space<hbm>>
      %dma_start3A_48 = tpu.memref_squeeze %dma_start3A_47 : memref<1x16xf32, #tpu.memory_space<hbm>> -> memref<16xf32, #tpu.memory_space<hbm>>
      tpu.enqueue_dma source(%arg11 : memref<16xf32, #tpu.memory_space<vmem>>) target(%dma_start3A_48 : memref<16xf32, #tpu.memory_space<hbm>>) target_semaphore(%run_scoped3A : memref<!tpu.dma_semaphore, #tpu.memory_space<semaphore_mem>>)
      %dma_wait3A = arith.constant 0 : i32
      %dma_wait3A_49 = tpu.memref_slice %arg5[%add3A, %dma_wait3A] : memref<32x16xf32, #tpu.memory_space<hbm>> -> memref<1x16xf32, #tpu.memory_space<hbm>>
      %dma_wait3A_50 = tpu.memref_squeeze %dma_wait3A_49 : memref<1x16xf32, #tpu.memory_space<hbm>> -> memref<16xf32, #tpu.memory_space<hbm>>
      %dma_wait3A_51 = arith.constant 0 : i32
      %dma_wait3A_52 = tpu.memref_slice %arg5[%add3A, %dma_wait3A_51] : memref<32x16xf32, #tpu.memory_space<hbm>> -> memref<1x16xf32, #tpu.memory_space<hbm>>
      %dma_wait3A_53 = tpu.memref_squeeze %dma_wait3A_52 : memref<1x16xf32, #tpu.memory_space<hbm>> -> memref<16xf32, #tpu.memory_space<hbm>>
      tpu.wait_dma2 semaphore(%run_scoped3A : memref<!tpu.dma_semaphore, #tpu.memory_space<semaphore_mem>>) src(%arg11 : memref<16xf32, #tpu.memory_space<vmem>>) dst(%dma_wait3A_53 : memref<16xf32, #tpu.memory_space<hbm>>)
      tpu.yield
    }) : () -> ()
    return
  }
}

module attributes {stable_mosaic.version = 14 : i64} {
  func.func @_tc_mse_kernel(%arg0: i32, %arg1: memref<1024x1000xf32, #tpu.memory_space<vmem>>, %arg2: memref<16384x1xi32, #tpu.memory_space<vmem>>, %arg3: memref<1000x1000xf32, #tpu.memory_space<vmem>>, %arg4: memref<1x1000xf32, #tpu.memory_space<vmem>>) attributes {dimension_semantics = [#tpu.dimension_semantics<arbitrary>], iteration_bounds = array<i64: 9>, scalar_prefetch = 0 : i64, scratch_operands = 0 : i64, tpu.core_type = #tpu.core_type<tc>, window_params = [{transform_indices = @transform_0, window_bounds = array<i64: 1024, 1000>}, {pipeline_mode = #tpu.pipeline_mode<synchronous>, transform_indices = @transform_1, window_bounds = array<i64: 16384, 1>}, {pipeline_mode = #tpu.pipeline_mode<synchronous>, transform_indices = @transform_2, window_bounds = array<i64: 1000, 1000>}, {pipeline_mode = #tpu.pipeline_mode<synchronous>, transform_indices = @transform_3, window_bounds = array<i64: 1, 1000>}]} {
    %add3A = arith.constant 7 : i32
    %add3A_0 = arith.addi %add3A, %arg0 : i32
    %mul3A = arith.constant 1024 : i32
    %mul3A_1 = arith.muli %add3A_0, %mul3A : i32
    %get3A = arith.index_cast %mul3A_1 : i32 to index
    %get3A_2 = arith.constant 0 : index
    %get3A_3 = vector.load %arg2[%get3A, %get3A_2] : memref<16384x1xi32, #tpu.memory_space<vmem>>, vector<1024x1xi32>
    %iota3A = tpu.iota {dimensions = array<i32: 1>} : vector<1024x1000xi32>
    %eq3A = vector.broadcast %get3A_3 : vector<1024x1xi32> to vector<1024x1000xi32>
    %eq3A_4 = arith.cmpi eq, %iota3A, %eq3A : vector<1024x1000xi32>
    %convert_element_type3A = arith.extui %eq3A_4 : vector<1024x1000xi1> to vector<1024x1000xi32>
    %convert_element_type3A_5 = arith.sitofp %convert_element_type3A : vector<1024x1000xi32> to vector<1024x1000xf32>
    %get3A_6 = arith.constant 0 : index
    %get3A_7 = arith.constant 0 : index
    %get3A_8 = vector.load %arg3[%get3A_6, %get3A_7] : memref<1000x1000xf32, #tpu.memory_space<vmem>>, vector<1000x1000xf32>
    %dot_general3A = arith.constant dense<0.000000e+00> : vector<1024x1000xf32>
    %dot_general3A_9 = tpu.matmul %convert_element_type3A_5, %get3A_8, %dot_general3A {dimension_numbers = #tpu.dot_dimension_numbers<[1], [0], [0], [1], [0, 0, 1, 1], [], []>, transpose_lhs_hint = false} : vector<1024x1000xf32>, vector<1000x1000xf32>, vector<1024x1000xf32> -> vector<1024x1000xf32>
    %get3A_10 = arith.constant 0 : index
    %get3A_11 = arith.constant 0 : index
    %get3A_12 = vector.load %arg1[%get3A_10, %get3A_11] : memref<1024x1000xf32, #tpu.memory_space<vmem>>, vector<1024x1000xf32>
    %sub3A = arith.subf %get3A_12, %dot_general3A_9 : vector<1024x1000xf32>
    %mul3A_13 = arith.mulf %sub3A, %sub3A : vector<1024x1000xf32>
    %reduce_sum3A = arith.constant dense<0.000000e+00> : vector<1000xf32>
    %reduce_sum3A_14 = vector.multi_reduction <add>, %mul3A_13, %reduce_sum3A [0] : vector<1024x1000xf32> to vector<1000xf32>
    %broadcast_in_dim3A = vector.shape_cast %reduce_sum3A_14 : vector<1000xf32> to vector<1x1000xf32>
    %eq3A_15 = arith.constant 0 : i32
    %eq3A_16 = arith.cmpi eq, %arg0, %eq3A_15 : i32
    %convert_element_type3A_17 = arith.extui %eq3A_16 : i1 to i32
    %cond3A = arith.constant 0 : i32
    %cond3A_18 = arith.cmpi ne, %convert_element_type3A_17, %cond3A : i32
    scf.if %cond3A_18 {
      %broadcast_in_dim3A_25 = arith.constant 0.000000e+00 : f32
      %broadcast_in_dim3A_26 = vector.broadcast %broadcast_in_dim3A_25 : f32 to vector<1x1000xf32>
      %swap3A_27 = arith.constant 0 : index
      %swap3A_28 = arith.constant 0 : index
      %swap3A_29 = vector.load %arg4[%swap3A_27, %swap3A_28] : memref<1x1000xf32, #tpu.memory_space<vmem>>, vector<1x1000xf32>
      tpu.vector_store %arg4[%swap3A_27, %swap3A_28], %broadcast_in_dim3A_26 {strides = array<i32>} : memref<1x1000xf32, #tpu.memory_space<vmem>>, vector<1x1000xf32>,
    } else {
    }
    %get3A_19 = arith.constant 0 : index
    %get3A_20 = arith.constant 0 : index
    %get3A_21 = vector.load %arg4[%get3A_19, %get3A_20] : memref<1x1000xf32, #tpu.memory_space<vmem>>, vector<1x1000xf32>
    %add3A_22 = arith.addf %get3A_21, %broadcast_in_dim3A : vector<1x1000xf32>
    %swap3A = arith.constant 0 : index
    %swap3A_23 = arith.constant 0 : index
    %swap3A_24 = vector.load %arg4[%swap3A, %swap3A_23] : memref<1x1000xf32, #tpu.memory_space<vmem>>, vector<1x1000xf32>
    tpu.vector_store %arg4[%swap3A, %swap3A_23], %add3A_22 {strides = array<i32>} : memref<1x1000xf32, #tpu.memory_space<vmem>>, vector<1x1000xf32>,
    return
  }
  func.func @transform_0(%arg0: i32) -> (i32, i32) {
    %add3A = arith.constant 7 : i32
    %add3A_0 = arith.addi %add3A, %arg0 : i32
    %c0_i32 = arith.constant 0 : i32
    %c0_i32_1 = arith.constant 0 : i32
    return %add3A_0, %c0_i32 : i32, i32
  }
  func.func @transform_1(%arg0: i32) -> (i32, i32) {
    %c0_i32 = arith.constant 0 : i32
    %c0_i32_0 = arith.constant 0 : i32
    %c0_i32_1 = arith.constant 0 : i32
    return %c0_i32, %c0_i32_0 : i32, i32
  }
  func.func @transform_2(%arg0: i32) -> (i32, i32) {
    %c0_i32 = arith.constant 0 : i32
    %c0_i32_0 = arith.constant 0 : i32
    %c0_i32_1 = arith.constant 0 : i32
    return %c0_i32, %c0_i32_0 : i32, i32
  }
  func.func @transform_3(%arg0: i32) -> (i32, i32) {
    %c0_i32 = arith.constant 0 : i32
    %c0_i32_0 = arith.constant 0 : i32
    %c0_i32_1 = arith.constant 0 : i32
    return %c0_i32, %c0_i32_0 : i32, i32
  }
}

</mosaic_0001>

<sc_bundles>
// kernel: kernel.4.cloned.1.call-start
scs
__scs_entry_jumppad:
0x0: {  	(pc) =	sbr.rel $0x88, $3  }
0x1: {  	(tag) =	ssettag $0x0;
	lr =	simm.s32 $0x1  }
0x2: {  	[smem:$0x3F9E] =	sst lr;
	_ =	strace $0xD0000000  }
0x3: {  	_ = 	snop  }
0x4: {  	_ = 	snop  }
0x5: {  	_ = 	snop  }
0x6: {  	_ = 	snop  }
0x7: {  	_ = 	snop  }
__scs_overlays_trampoline_lowered:
0x8: {  	[smem:$0x3FAD] =	sst s0  }
0x9: {  	[smem:$0x3FAE] =	sst s1  }
0xa: {  	[smem:$0x3FAF] =	sst s2  }
0xb: {  	[smem:$0x3FB0] =	sst s3  }
0xc: {  	[smem:$0x3FB1] =	sst s4  }
0xd: {  	[smem:$0x3FB2] =	sst s5  }
0xe: {  	[smem:$0x3FB3] =	sst s6  }
0xf: {  	[smem:$0x3FB4] =	sst s7  }
0x10: {  	[smem:$0x3FB5] =	sst s8  }
0x11: {  	[smem:$0x3FB6] =	sst s9;
	s0 =	simm.s32 @!p0 $0x0  }
0x12: {  	s1 =	sld [smem:$0x3F9C];
	s0 =	simm.s32 @p0 $0x1  }
0x13: {  	[smem:$0x3FB7] =	sst s0;
	s0 =	simm.s32 @!p1 $0x0  }
0x14: {  	s2 =	sld [smem:$0x3F9B];
	s0 =	simm.s32 @p1 $0x1  }
0x15: {  	[smem:$0x3FB8] =	sst s0;
	s0 =	simm.s32 @!p2 $0x0  }
0x16: {  	s3 =	sld [smem:$0x3FDB];
	s0 =	simm.s32 @p2 $0x1  }
0x17: {  	s4 =	simm.s32 $0x1BF5;
	[smem:$0x3FBA] =	sst s0  }
0x18: {  	s0 =	sld [smem:$0x3F9D];
	_ =	swait.ge [sflag:s4], $0x0  }
0x19: {  	s7 =	sld [smem:$0x3F9E]  }
0x1a: {  	s8 =	sadd.s32 $0xFFFFE003, lr  }
0x1b: {  	s9 =	sadd.s32 $0xFFFFFEF7, lr;
	s5 =	simm.s32 $0xFFFFFFFF;
	p2 =	slt.u32 s8, $0xFFFFF086  }
0x1c: {  	p1 =	slt.u32 s9, $0xF7A;
	s5 =	simm.s32 @!p2 $0x0  }
0x1d: {  	s5 =	simm.s32 @p1 $0x1;
	p0 =	seq.s32 s7, s2  }
0x1e: {  	s7 =	smul.u32 @!p0 $0xF7A, s2;
	p2 =	seq.s32 @!p0 s5, $0x0  }
0x1f: {  	s9 =	smul.u32 $0xF7A, s1;
	s8 =	simm.s32 @!p0 $0x1BF5;
	p2 =	por !p2, p0  }
0x20: {  	[sflag:s8] =	ssyncset.s32 @!p0 $0xFFFFF086;
	s6 =	sadd.s32 @!p0 s3, s7;
	s7 =	simm.s32 @!p0 $0x108  }
0x21: {  	s3 =	sadd.s32 s3, s9;
	s6 =	sadd.s32 @!p0 $0x88, s6;
	s7 =	simm.s32 @p2 $0x1082  }
0x22: {  	[simem:s7], [sflag:s8] =	dma.local @!p0 [hbm:s6], $0xF7A  }
0x23: {  	s9 =	sor.u32 $0xD0000000, s2;
	s6 =	simm.s32 $0x108;
	_ =	swait.ge @!p0 [sflag:s8], $0x0  }
0x24: {  	s3 =	sadd.s32 $0x88, s3;
	s6 =	simm.s32 @!p1 $0x1082;
	[sflag:s4] =	ssyncset.s32 $0xFFFFF086  }
0x25: {  	[simem:s6], [sflag:s4] =	dma.local [hbm:s3], $0xF7A  }
0x26: {  	[smem:$0x3F9E] =	sst s1;
	(tag) =	ssettag s2;
	_ =	strace s9  }
0x27: {  	s1 =	sld [smem:$0x3FAE]  }
0x28: {  	s2 =	sld [smem:$0x3FAF]  }
0x29: {  	s4 =	sld [smem:$0x3FB1]  }
0x2a: {  	p0 =	seq.s32 s5, $0x0;
	s5 =	sld [smem:$0x3FB2]  }
0x2b: {  	s6 =	sld [smem:$0x3FB3]  }
0x2c: {  	s7 =	sld [smem:$0x3FB4]  }
0x2d: {  	s3 =	simm.s32 $0x108;
	s8 =	sld [smem:$0x3FB5]  }
0x2e: {  	s3 =	simm.s32 @!p0 $0x1082;
	s9 =	sld [smem:$0x3FB6]  }
0x2f: {  	lr =	sadd.s32 s0, s3;
	s0 =	sld [smem:$0x3FAD]  }
0x30: {  	s3 =	sld [smem:$0x3FB0]  }
0x31: {  	[smem:$0x3FB9] =	sst s10  }
0x32: {  	s10 =	sld [smem:$0x3FB7];
	_ =	sdelay $0x3  }
0x33: {  	p0 =	seq.s32 s10, $0x1;
	s10 =	sld [smem:$0x3FB9];
	_ =	sdelay $0x3  }
0x34: {  	[smem:$0x3FB9] =	sst s10  }
0x35: {  	s10 =	sld [smem:$0x3FB8];
	_ =	sdelay $0x3  }
0x36: {  	p1 =	seq.s32 s10, $0x1;
	s10 =	sld [smem:$0x3FB9];
	_ =	sdelay $0x3  }
0x37: {  	[smem:$0x3FB9] =	sst s10  }
0x38: {  	s10 =	sld [smem:$0x3FBA]  }
0x39: {  	_ = 	snop;
	(pc) =	sbr.ind lr, $3  }
0x3a: {  	_ = 	snop  }
0x3b: {  	_ = 	snop  }
0x3c: {  	p2 =	seq.s32 s10, $0x1;
	s10 =	sld [smem:$0x3FB9]  }
0x3d: {  	_ =	shalt  }
0x3e: {  	_ =	shalt  }
0x3f: {  	_ =	shalt  }
0x40: {  	_ =	shalt  }
0x41: {  	_ =	shalt  }
0x42: {  	_ =	shalt  }
0x43: {  	_ =	shalt  }
0x44: {  	_ =	shalt  }
0x45: {  	_ =	shalt  }
0x46: {  	_ =	shalt  }
0x47: {  	_ =	shalt  }
0x48: {  	_ =	shalt  }
0x49: {  	_ =	shalt  }
0x4a: {  	_ =	shalt  }
0x4b: {  	_ =	shalt  }
0x4c: {  	_ =	shalt  }
0x4d: {  	_ =	shalt  }
0x4e: {  	_ =	shalt  }
0x4f: {  	_ =	shalt  }
0x50: {  	_ =	shalt  }
0x51: {  	_ =	shalt  }
0x52: {  	_ =	shalt  }
0x53: {  	_ =	shalt  }
0x54: {  	_ =	shalt  }
0x55: {  	_ =	shalt  }
0x56: {  	_ =	shalt  }
0x57: {  	_ =	shalt  }
0x58: {  	_ =	shalt  }
0x59: {  	_ =	shalt  }
0x5a: {  	_ =	shalt  }
0x5b: {  	_ =	shalt  }
0x5c: {  	_ =	shalt  }
0x5d: {  	_ =	shalt  }
0x5e: {  	_ =	shalt  }
0x5f: {  	_ =	shalt  }
0x60: {  	_ =	shalt  }
0x61: {  	_ =	shalt  }
0x62: {  	_ =	shalt  }
0x63: {  	_ =	shalt  }
0x64: {  	_ =	shalt  }
0x65: {  	_ =	shalt  }
0x66: {  	_ =	shalt  }
0x67: {  	_ =	shalt  }
0x68: {  	_ =	shalt  }
0x69: {  	_ =	shalt  }
0x6a: {  	_ =	shalt  }
0x6b: {  	_ =	shalt  }
0x6c: {  	_ =	shalt  }
0x6d: {  	_ =	shalt  }
0x6e: {  	_ =	shalt  }
0x6f: {  	_ =	shalt  }
0x70: {  	_ =	shalt  }
0x71: {  	_ =	shalt  }
0x72: {  	_ =	shalt  }
0x73: {  	_ =	shalt  }
0x74: {  	_ =	shalt  }
0x75: {  	_ =	shalt  }
0x76: {  	_ =	shalt  }
0x77: {  	_ =	shalt  }
0x78: {  	_ =	shalt  }
0x79: {  	_ =	shalt  }
0x7a: {  	_ =	shalt  }
0x7b: {  	_ =	shalt  }
0x7c: {  	_ =	shalt  }
0x7d: {  	_ =	shalt  }
0x7e: {  	_ =	shalt  }
0x7f: {  	_ =	shalt  }
0x80: {  	_ =	shalt  }
0x81: {  	_ =	shalt  }
0x82: {  	_ =	shalt  }
0x83: {  	_ =	shalt  }
0x84: {  	_ =	shalt  }
0x85: {  	_ =	shalt  }
0x86: {  	_ =	shalt  }
0x87: {  	_ =	shalt  }
.Lfunc_end0:
.L_simem_size_0:
called_computation_lowered:
.L_overlay_start_0:
0x88: {  	s2 =	sld [smem:$0x3FD9]  }
0x89: {  	s3 =	sld [smem:$0x3FFE];
	_ =	sdelay $0x1  }
0x8a: {  	s1 =	srdreg.scid  }
0x8b: {  	s0 =	sand.u32 $0x1, s1  }
0x8c: {  	s17 =	sshll.u32 s0, $0xA;
	s2 =	sadd.s32 s3, s2  }
0x8d: {  	s2 =	sadd.s32 s2, s17  }
0x8e: {  	[smem:$0x3FC5] =	sst s2  }
0x8f: {  	_ = 	snop  }
0x90: {  	s2 =	sld [smem:$0x3FC8];
	(tm) =	ssettm $0x1  }
0x91: {  	s18 =	sld [smem:$0x3FFB];
	_ =	sdelay $0x3  }
0x92: {  	_ =	strace s18  }
0x93: {  	s3 =	sld [smem:$0x3FFC];
	_ =	sdelay $0x3  }
0x94: {  	_ =	strace s3  }
0x95: {  	s3 =	sld [smem:$0x3FFD];
	_ =	sdelay $0x3  }
0x96: {  	_ =	strace s3  }
0x97: {  	_ =	strace $0x8FFFFFFF  }
0x98: {  	s19 =	sld [smem:$0x3FDB];
	_ =	sdelay $0x1  }
0x99: {  	s4 =	simm.s32 $_scs_section_size  }
0x9a: {  	s5 =	simm.s32 $_size__tile_overlayer_lowered;
	s6 =	simm.s32 $_tile_overlayer_lowered  }
0x9b: {  	s22 =	simm.s32 $0x1BFF;
	s21 =	sshll.u32 s6, $0x1;
	s3 =	sadd.s32 s4, s19  }
0x9c: {  	s7 =	simm.s32 $0x0;
	s20 =	sshll.u32 s5, $0x1;
	s5 =	sadd.s32 s21, s3  }
0x9d: {  	[timem:s7], [sflag:s22] =	dma.local [hbm:s5], s20  }
0x9e: {  	_ =	swait.ge [sflag:s22], s20  }
0x9f: {  	s4 =	ssub.s32 $0x0, s20;
	[sflag:s22] =	ssyncset.done $0x0  }
0xa0: {  	[sflag:s22] =	ssyncadd.s32 s4;
	_ =	sdelay $0x1  }
0xa1: {  	s23 =	simm.s32 $0x1B8B  }
0xa2: {  	_ =	swait.ge [sflag:s23], $0x1  }
0xa3: {  	[sflag:s23] =	ssyncset.done $0x0  }
0xa4: {  	s25 =	simm.s32 $0x1B8E;
	s24 =	sld [smem:$0x3FFE];
	[sflag:s23] =	ssyncadd.s32 $0xFFFFFFFF  }
0xa5: {  	s26 =	simm.s32 $execute0_lowered;
	[smem:$0x3FD2] =	sst s25  }
0xa6: {  	s5 =	sshll.u32 s26, $0x1;
	_ =	strace $0x80000046;
	[dreg:$0x1] =	wrdreg $0xFFFFFFFF  }
0xa7: {  	s28 =	simm.s32 $_size_execute0_lowered;
	s3 =	sadd.s32 s3, s5;
	[dreg:$0x0] =	wrdreg $0x0  }
0xa8: {  	s5 =	sshll.u32 s28, $0x1;
	[dreg:$0x2] =	wrdreg s3  }
0xa9: {  	[dreg:$0x3] =	wrdreg s5  }
0xaa: {  	[dreg:$0x4] =	wrdreg $0xC0  }
0xab: {  	_ =	task [dreg:s7], $0x5FFFF  }
0xac: {  	[dreg:$0x1] =	wrdreg $0xFFFFFFFF  }
0xad: {  	[dreg:$0x0] =	wrdreg $0x60  }
0xae: {  	[dreg:$0x2] =	wrdreg s24  }
0xaf: {  	[dreg:$0x3] =	wrdreg s2  }
0xb0: {  	[dreg:$0x4] =	wrdreg $0x9  }
0xb1: {  	_ =	task.clear_ibuf [dreg:s7], $0x5FFFF;
	_ =	strace $0x90000046  }
0xb2: {  	s29 =	simm.s32 $0x9;
	_ =	strace $0x80000048  }
0xb3: {  	_ =	swait.ge [sflag:s29], $0x1  }
0xb4: {  	[sflag:s29] =	ssyncadd.s32 $0xFFFFFFFF  }
0xb5: {  	_ =	strace $0x90000048  }
0xb6: {  	_ =	sfence  }
0xb7: {  	s30 =	sld [smem:$0x0];
	_ =	sdelay $0x2  }
0xb8: {  	s31 =	sshll.u32 s1, $0xD;
	s1 =	sshrl.u32 s1, $0x2  }
0xb9: {  	s3 =	sand.u32 $0x4000, s31;
	s1 =	sadd.s32 s1, s30  }
0xba: {  	s0 =	sor.u32 s3, s0;
	s1 =	sshll.u32 s1, $0x11  }
0xbb: {  	s0 =	sor.u32 s1, s0  }
0xbc: {  	s0 =	sadd.s32 $0x8F2B, s0  }
0xbd: {  	[sflag:s0] =	ssyncadd.remote.s32 $0x1  }
0xbe: {  	_ =	sfence.sel $0xFFFF  }
0xbf: {  	[dreg:$0x0] =	wrdreg $0xFFFFFFFF;
	(pc) =	sbr.abs _section_cstart, $3  }
0xc0: {  	[dreg:$0x1] =	wrdreg $0xFFFFFFFF  }
0xc1: {  	_ =	task.clear_ibuf [dreg:s7], $0x2FFFF;
	_ =	strace $0x9FFFFFFF  }
0xc2: {  	(tm) =	ssettm $0x7FFFFFFF  }
0xc3: {  	_ =	shalt  }
tec
execute0_lowered:
.L_overlay_start_1:
0x0: {  	(tag) =	ssettag $0x1  }
0x1: {  	s1 =	rddreg [dreg:$0x0]  }
0x2: {  	s0 =	rddreg [dreg:$0x1]  }
0x3: {  	s3 =	simm.s32 $0x0;
	s2 =	srdreg.scid;
	s12 =	stileid.u32  }
0x4: {  	s14 =	simm.s32 $0x5;
	s28 =	simm.s32 $0xD800;
	s29 =	simm.s32 $0xE000  }
0x5: {  	s30 =	simm.s32 $0xE800;
	s31 =	simm.s32 $0xF000;
	s15 =	simm.s32 $0x1  }
0x6: {  	s16 =	simm.s32 $0x3;
	s17 =	simm.s32 $0x2;
	s18 =	simm.s32 $0x4  }
0x7: {  	[smem:$0x7FF] =	sst s3;
	s2 =	sand.u32 $0x1, s2;
	s4 =	sadd.s32 $0x200000, s1  }
0x8: {  	s5 =	sshll.u32 s12, $0x4;
	_ =	strace $0x80000047;
	s6 =	sshll.u32 s2, $0x4  }
0x9: {  	s5 =	sand.u32 $0x70, s5;
	s7 =	ssub.s32 $0x2, s2;
	s2 =	smul.u32 $0xE00, s2  }
0xa: {  	s9 =	sor.u32 s12, s6;
	s10 =	sadd.s32 s5, s1;
	s5 =	sadd.s32 $0x200100, s1  }
0xb: {  	s25 =	sshrl.u32 s7, $0x1;
	s6 =	sadd.s32 $0x200200, s1;
	s12 =	smul.u32 $0xE0, s12  }
0xc: {  	s8 =	smul.u32 $0x7000, s9;
	s7 =	ssub.s32 s7, s25;
	s11 =	sshll.u32 s9, $0x4  }
0xd: {  	v0 =	vimm.s32 $0xFEDCBA98;
	s25 =	simm.s32 $0xC800;
	s11 =	sand.u32 $0x180, s11;
	s2 =	sadd.s32 s12, s2  }
0xe: {  	v1 =	vimm.s32 $0x76543210;
	v2 =	vunpack.c.l.s4.s8 v0;
	s7 =	smax.u32 s7, $0x1;
	s13 =	sadd.s32 s1, s8;
	s8 =	sadd.s32 $0x200300, s1  }
.Ltmp0:
0xf: {  	v3 =	vunpack.c.l.s4.s8 v1;
	s11 =	sadd.s32 s11, s10;
	[dreg:$0x6] =	wrdreg s7;
	(pc) =	sbr.rel .LBB2_1-.Ltmp0, $4  }
0x10: {  	v4 =	vlaneseq.u32;
	vm0 =	vmmov $0xffff;
	v5 =	vunpack.c.0.s8.s32 v2;
	s10 =	smul.u32 $0x38000, s9;
	[dreg:$0x3] =	wrdreg s13;
	s13 =	sadd.s32 $0x800, s13  }
0x11: {  	vm1 =	vmmov $0xff;
	v0 =	vimm.f32 $0.0e+00;
	v6 =	vunpack.c.0.s8.s32 v3;
	s2 =	sshrl.u32 s2, $0x3;
	s26 =	sadd.s32 $0x21F400, s11;
	[dreg:$0x4] =	wrdreg s13  }
0x12: {  	v1 =	vand.u32 $0x7, v4;
	v2 =	vshrl.u32 v4, $0x3;
	v5 =	vand.u32 $0xF, v5;
	s9 =	simm.s32 $0x0;
	[dreg:$0x5] =	wrdreg s26;
	s13 =	sadd.s32 s2, s0  }
0x13: {  	v3 =	vor.u32 $0x8, v4;
	v2 =	vmul.u32 $0x8, v2;
	v4 =	vcombine.low v5, v6;
	s26 =	simm.s32 $0xD000;
	s0 =	simm.s32 $0xF800;
	s2 =	simm.s32 $0x10000  }
.LBB2_14:
0x14: {  	s7 =	rddreg [dreg:$0x5];
	s9 =	simm.s32 $0x10800  }
0x15: {  	[hbm4b:s7+s3] =	stream.linear.scatter [tilespmem:s9], [sflag:$0x5], $0x80, $0x38;
	[tilespmem:$0x10880] =	vst v63  }
0x16: {  	_ =	swait.ge [sflag:s14], $0x80  }
0x17: {  	s23 =	rddreg [dreg:$0x7]  }
0x18: {  	s24 =	rddreg [dreg:$0x6];
	s9 =	sadd.s32 $0x1, s23  }
0x19: {  	p0 =	sne.s32 s9, s24  }
.Ltmp1:
0x1a: {  	_ = 	snop;
	(pc) =	sbr.rel @!p0 .LBB2_15-.Ltmp1, $3  }
0x1b: {  	_ =	sdelay $0x1  }
0x1c: {  	[sflag:s14] =	ssyncset.done $0x0  }
0x1d: {  	[sflag:s14] =	ssyncadd.s32 $0xFFFFFF80  }
.LBB2_1:
0x1e: {  	[dreg:$0x7] =	wrdreg s9;
	s7 =	sadd.s32 $0x0, s13  }
0x1f: {  	[tilespmem:s3], [sflag:$0x5] =	stream.linear.gather [hbm4b:s7+s3], $0x10, $0x38;
	[tilespmem:$0x10880] =	vst v63  }
0x20: {  	_ =	swait.ge [sflag:s14], $0x10  }
0x21: {  	s9 =	simm.s32 $0x0;
	s7 =	simm.s32 $0x2;
	[sflag:s14] =	ssyncset.done $0x0  }
.LBB2_2:
0x22: {  	s11 =	sadd.s32 s7, s13  }
0x23: {  	[sflag:s14] =	ssyncadd.s32 $0xFFFFFFF0;
	s9 =	sadd.s32 $0x80, s9;
	p0 =	sne.s32 s7, $0x1A  }
0x24: {  	[tilespmem:s9], [sflag:$0x5] =	stream.linear.gather [hbm4b:s11+s3], $0x10, $0x38;
	[tilespmem:$0x10880] =	vst v63  }
.Ltmp2:
0x25: {  	_ = 	snop;
	(pc) =	sbr.rel @p0 .LBB2_2-.Ltmp2, $4  }
0x26: {  	_ = 	snop  }
0x27: {  	s7 =	sadd.s32 $0x2, s7  }
0x28: {  	_ =	swait.ge [sflag:s14], $0x10  }
0x29: {  	[sflag:s14] =	ssyncset.done $0x0  }
0x2a: {  	[sflag:s14] =	ssyncadd.s32 $0xFFFFFFF0  }
0x2b: {  	s21 =	simm.s32 $0x0;
	s7 =	rddreg [dreg:$0x3];
	s9 =	simm.s32 $0x800;
	[tilespmem:$0x10800] =	vst v0  }
0x2c: {  	[tilespmem:s9], [sflag:$0x1] =	stream.linear.gather [hbm4b:s7+s21], $0x4000, $0x38;
	[tilespmem:$0x10880] =	vst v63  }
0x2d: {  	v5 =	vld [tilespmem:$0x0];
	_ =	sdelay $0x4  }
0x2e: {  	v6 =	vshll.u32 v5, $0x3  }
0x2f: {  	v5 =	vand.u32 $0x7, v5;
	v6 =	vand.u32 $0xFFFFFFC0, v6  }
0x30: {  	v5 =	vor.u32 v5, v6  }
0x31: {  	v6 =	vperm.xlane v5, v1;
	_ =	sdelay $0x1  }
0x32: {  	v6 =	vadd.s32 v2, v6;
	_ =	sdelay $0x3  }
0x33: {  	s23 =	simm.s32 $0x8800  }
0x34: {  	[tilespmem:s23], [sflag:$0x3] =	stream.indirect_vreg.gather [hbm4b:s4+s21], $0x80, v6, vm0, $0xb8;
	[tilespmem:$0x10880] =	vst v63  }
0x35: {  	s24 =	simm.s32 $0x9000;
	v5 =	vperm.xlane v5, v3  }
0x36: {  	[tilespmem:s24], [sflag:$0x3] =	stream.indirect_vreg.gather [hbm4b:s5+s21], $0x80, v6, vm0, $0xb8;
	[tilespmem:$0x10880] =	vst v63  }
0x37: {  	s9 =	simm.s32 $0x9800;
	v5 =	vadd.s32 v2, v5  }
0x38: {  	[tilespmem:s9], [sflag:$0x3] =	stream.indirect_vreg.gather [hbm4b:s6+s21], $0x80, v6, vm0, $0xb8;
	[tilespmem:$0x10880] =	vst v63  }
0x39: {  	s11 =	simm.s32 $0xA000  }
0x3a: {  	[tilespmem:s11], [sflag:$0x3] =	stream.indirect_vreg.gather [hbm4b:s8+s21], $0x80, v6, vm0, $0xb8;
	[tilespmem:$0x10880] =	vst v63  }
0x3b: {  	s12 =	simm.s32 $0xA800  }
0x3c: {  	[tilespmem:s12], [sflag:$0x3] =	stream.indirect_vreg.gather [hbm4b:s4+s21], $0x80, v5, vm0, $0xb8;
	[tilespmem:$0x10880] =	vst v63  }
0x3d: {  	s19 =	simm.s32 $0xB000  }
0x3e: {  	[tilespmem:s19], [sflag:$0x3] =	stream.indirect_vreg.gather [hbm4b:s5+s21], $0x80, v5, vm0, $0xb8;
	[tilespmem:$0x10880] =	vst v63  }
0x3f: {  	s20 =	simm.s32 $0xB800  }
0x40: {  	[tilespmem:s20], [sflag:$0x3] =	stream.indirect_vreg.gather [hbm4b:s6+s21], $0x80, v5, vm0, $0xb8;
	[tilespmem:$0x10880] =	vst v63  }
0x41: {  	s22 =	simm.s32 $0xC000  }
0x42: {  	[tilespmem:s22], [sflag:$0x3] =	stream.indirect_vreg.gather [hbm4b:s8+s21], $0x80, v5, vm0, $0xb8;
	[tilespmem:$0x10880] =	vst v63  }
0x43: {  	s23 =	rddreg [dreg:$0x4];
	s24 =	simm.s32 $0x4800  }
0x44: {  	[tilespmem:s24], [sflag:$0x2] =	stream.linear.gather [hbm4b:s23+s21], $0x4000, $0x38;
	[tilespmem:$0x10880] =	vst v63  }
0x45: {  	v5 =	vld [tilespmem:$0x80];
	_ =	sdelay $0x4  }
0x46: {  	v6 =	vshll.u32 v5, $0x3  }
0x47: {  	v5 =	vand.u32 $0x7, v5;
	v6 =	vand.u32 $0xFFFFFFC0, v6  }
0x48: {  	v5 =	vor.u32 v5, v6  }
0x49: {  	v6 =	vperm.xlane v5, v1;
	_ =	sdelay $0x1  }
0x4a: {  	v6 =	vadd.s32 v2, v6;
	_ =	sdelay $0x4  }
0x4b: {  	[tilespmem:s25], [sflag:$0x4] =	stream.indirect_vreg.gather [hbm4b:s4+s21], $0x80, v6, vm0, $0xb8;
	[tilespmem:$0x10880] =	vst v63  }
0x4c: {  	v5 =	vperm.xlane v5, v3  }
0x4d: {  	[tilespmem:s26], [sflag:$0x4] =	stream.indirect_vreg.gather [hbm4b:s5+s21], $0x80, v6, vm0, $0xb8;
	[tilespmem:$0x10880] =	vst v63  }
0x4e: {  	v5 =	vadd.s32 v2, v5  }
0x4f: {  	[tilespmem:s28], [sflag:$0x4] =	stream.indirect_vreg.gather [hbm4b:s6+s21], $0x80, v6, vm0, $0xb8;
	[tilespmem:$0x10880] =	vst v63  }
0x50: {  	_ = 	snop  }
0x51: {  	[tilespmem:s29], [sflag:$0x4] =	stream.indirect_vreg.gather [hbm4b:s8+s21], $0x80, v6, vm0, $0xb8;
	[tilespmem:$0x10880] =	vst v63  }
0x52: {  	_ = 	snop  }
0x53: {  	[tilespmem:s30], [sflag:$0x4] =	stream.indirect_vreg.gather [hbm4b:s4+s21], $0x80, v5, vm0, $0xb8;
	[tilespmem:$0x10880] =	vst v63  }
0x54: {  	_ = 	snop  }
0x55: {  	[tilespmem:s31], [sflag:$0x4] =	stream.indirect_vreg.gather [hbm4b:s5+s21], $0x80, v5, vm0, $0xb8;
	[tilespmem:$0x10880] =	vst v63  }
0x56: {  	_ = 	snop  }
0x57: {  	[tilespmem:s0], [sflag:$0x4] =	stream.indirect_vreg.gather [hbm4b:s6+s21], $0x80, v5, vm0, $0xb8;
	[tilespmem:$0x10880] =	vst v63  }
0x58: {  	_ = 	snop  }
0x59: {  	[tilespmem:s2], [sflag:$0x4] =	stream.indirect_vreg.gather [hbm4b:s8+s21], $0x80, v5, vm0, $0xb8;
	[tilespmem:$0x10880] =	vst v63  }
.LBB2_4:
0x5a: {  	_ =	swait.ge [sflag:s15], $0x4000  }
0x5b: {  	[sflag:s15] =	ssyncset.done $0x0  }
0x5c: {  	[sflag:s15] =	ssyncadd.s32 $0xFFFFC000  }
0x5d: {  	_ =	swait.ge [sflag:s16], $0x4000  }
0x5e: {  	[sflag:s16] =	ssyncset.done $0x0  }
0x5f: {  	[sflag:s16] =	ssyncadd.s32 $0xFFFFC000  }
0x60: {  	s22 =	simm.s32 $0x0;
	s23 =	simm.s32 $0x0;
	s19 =	simm.s32 $0x0;
	v5 =	vld [tilespmem:$0x10800]  }
.LBB2_5:
0x61: {  	s7 =	sshll.u32 s23, $0x2;
	s9 =	sand.u32 $0x7, s22  }
0x62: {  	s7 =	sand.u32 $0xFFFF8000, s7;
	s9 =	sshll.u32 s9, $0x9  }
0x63: {  	s7 =	sor.u32 s9, s7  }
0x64: {  	s7 =	sshrl.u32 s7, $0x2  }
0x65: {  	s20 =	sor.u32 $0x840, s7  }
0x66: {  	s9 =	sadd.s32 $0x8840, s7;
	v6 =	vld [tilespmem:s20+$0xFFFFFFC0]  }
0x67: {  	v7 =	vld [tilespmem:s9+$0xFFFFFFC0]  }
0x68: {  	v8 =	vld [tilespmem:s20+$0xFFFFFFD0]  }
0x69: {  	v9 =	vld [tilespmem:s9+$0xFFFFFFD0]  }
0x6a: {  	v10 =	vld [tilespmem:s20+$0xFFFFFFE0]  }
0x6b: {  	v11 =	vld [tilespmem:s9+$0xFFFFFFE0]  }
0x6c: {  	v12 =	vld [tilespmem:s20+$0xFFFFFFF0];
	v6 =	vsub.f32 v6, v7  }
0x6d: {  	v13 =	vld [tilespmem:s9+$0xFFFFFFF0]  }
0x6e: {  	v14 =	vld [tilespmem:s20+$0x0];
	v8 =	vsub.f32 v8, v9;
	v6 =	vmul.f32 v6, v6  }
0x6f: {  	v9 =	vld [tilespmem:s9+$0x0]  }
0x70: {  	v7 =	vld [tilespmem:s20+$0x10];
	v11 =	vsub.f32 v10, v11;
	v8 =	vmul.f32 v8, v8;
	v6 =	vadd.f32 v6, v5  }
0x71: {  	v10 =	vld [tilespmem:s9+$0x10]  }
0x72: {  	v12 =	vsub.f32 v12, v13;
	v11 =	vmul.f32 v11, v11;
	v5 =	vld [tilespmem:s20+$0x20];
	v15 =	vadd.f32 v8, v6  }
0x73: {  	v8 =	vld [tilespmem:s9+$0x20]  }
0x74: {  	s11 =	sshll.u32 s19, $0xA;
	s24 =	sshll.u32 s19, $0x7;
	v12 =	vmul.f32 v12, v12;
	v13 =	vsub.f32 v14, v9;
	v9 =	vld [tilespmem:s9+$0x30];
	v11 =	vadd.f32 v11, v15  }
0x75: {  	s12 =	sand.u32 $0x380, s24;
	s7 =	simm.s32 $0x0;
	v6 =	vld [tilespmem:s20+$0x30];
	s20 =	sadd.s32 $0x400, s20  }
.LBB2_6:
0x76: {  	v14 =	vld [tilespmem:s20+$0xFFFFFFC0];
	v11 =	vadd.f32 v12, v11;
	v12 =	vmul.f32 v13, v13;
	v7 =	vsub.f32 v7, v10;
	s9 =	sadd.s32 $0x400, s9  }
0x77: {  	s7 =	sadd.s32 $0x8, s7;
	v10 =	vld [tilespmem:s9+$0xFFFFFFC0]  }
0x78: {  	p0 =	slt.u32 s7, $0x30;
	v13 =	vld [tilespmem:s20+$0xFFFFFFD0];
	v11 =	vadd.f32 v12, v11;
	v7 =	vmul.f32 v7, v7;
	v5 =	vsub.f32 v5, v8  }
0x79: {  	v8 =	vld [tilespmem:s9+$0xFFFFFFD0]  }
0x7a: {  	v12 =	vld [tilespmem:s20+$0xFFFFFFE0];
	v7 =	vadd.f32 v7, v11;
	v5 =	vmul.f32 v5, v5;
	v6 =	vsub.f32 v6, v9  }
0x7b: {  	v9 =	vld [tilespmem:s9+$0xFFFFFFE0]  }
0x7c: {  	v10 =	vsub.f32 v14, v10;
	v11 =	vld [tilespmem:s20+$0xFFFFFFF0];
	v5 =	vadd.f32 v5, v7;
	v6 =	vmul.f32 v6, v6  }
0x7d: {  	v14 =	vld [tilespmem:s9+$0xFFFFFFF0]  }
0x7e: {  	v7 =	vmul.f32 v10, v10;
	v8 =	vsub.f32 v13, v8;
	v13 =	vld [tilespmem:s20+$0x0];
	v5 =	vadd.f32 v6, v5  }
0x7f: {  	v6 =	vld [tilespmem:s9+$0x0]  }
0x80: {  	v5 =	vadd.f32 v7, v5;
	v8 =	vmul.f32 v8, v8;
	v9 =	vsub.f32 v12, v9;
	v7 =	vld [tilespmem:s20+$0x10]  }
.Ltmp3:
0x81: {  	v10 =	vld [tilespmem:s9+$0x10];
	(pc) =	sbr.rel @p0 .LBB2_6-.Ltmp3, $4  }
0x82: {  	v12 =	vadd.f32 v8, v5;
	v9 =	vmul.f32 v9, v9;
	v14 =	vsub.f32 v11, v14;
	v5 =	vld [tilespmem:s20+$0x20]  }
0x83: {  	v8 =	vld [tilespmem:s9+$0x20]  }
0x84: {  	v11 =	vadd.f32 v9, v12;
	v12 =	vmul.f32 v14, v14;
	v13 =	vsub.f32 v13, v6;
	v6 =	vld [tilespmem:s20+$0x30]  }
0x85: {  	s20 =	sadd.s32 $0x400, s20;
	v9 =	vld [tilespmem:s9+$0x30]  }
0x86: {  	s7 =	sor.u32 s11, s12  }
0x87: {  	s9 =	sor.u32 $0x1C00, s7  }
0x88: {  	v14 =	vld [tilespmem:s9+$0x800]  }
0x89: {  	s24 =	sor.u32 $0x1C10, s7;
	v15 =	vld [tilespmem:s9+$0x8800]  }
0x8a: {  	v11 =	vadd.f32 v12, v11;
	v51 =	vmul.f32 v13, v13;
	v7 =	vsub.f32 v7, v10;
	v52 =	vld [tilespmem:s24+$0x800]  }
0x8b: {  	s11 =	sor.u32 $0x1C20, s7;
	v53 =	vld [tilespmem:s24+$0x8800]  }
0x8c: {  	v11 =	vadd.f32 v51, v11;
	v7 =	vmul.f32 v7, v7;
	v5 =	vsub.f32 v5, v8;
	v54 =	vld [tilespmem:s11+$0x800]  }
0x8d: {  	s12 =	sor.u32 $0x1C30, s7;
	v55 =	vld [tilespmem:s11+$0x8800]  }
0x8e: {  	v56 =	vld [tilespmem:s12+$0x800];
	v7 =	vadd.f32 v7, v11;
	v5 =	vmul.f32 v5, v5;
	v6 =	vsub.f32 v6, v9  }
0x8f: {  	s20 =	sor.u32 $0x1C40, s7;
	v57 =	vld [tilespmem:s12+$0x8800]  }
0x90: {  	v58 =	vld [tilespmem:s20+$0x800];
	v5 =	vadd.f32 v5, v7;
	v6 =	vmul.f32 v6, v6;
	v7 =	vsub.f32 v14, v15  }
0x91: {  	v59 =	vld [tilespmem:s20+$0x8800];
	s24 =	sor.u32 $0x1C50, s7  }
0x92: {  	s7 =	sor.u32 $0x1C60, s7;
	v60 =	vld [tilespmem:s24+$0x800];
	v5 =	vadd.f32 v6, v5;
	v6 =	vmul.f32 v7, v7;
	v7 =	vsub.f32 v52, v53  }
0x93: {  	v61 =	vld.msk [tilespmem:s7+$0x800], $0xff  }
0x94: {  	v62 =	vld.msk [tilespmem:s7+$0x8800], $0xff;
	v5 =	vadd.f32 v6, v5;
	v6 =	vmul.f32 v7, v7;
	v7 =	vsub.f32 v54, v55  }
0x95: {  	v63 =	vld [tilespmem:s24+$0x8800]  }
0x96: {  	v5 =	vadd.f32 v6, v5;
	v6 =	vsub.f32 v56, v57;
	v7 =	vmul.f32 v7, v7;
	_ =	sdelay $0x1  }
0x97: {  	v5 =	vadd.f32 v7, v5;
	v6 =	vmul.f32 v6, v6;
	v7 =	vsub.f32 v58, v59  }
0x98: {  	v8 =	vsub.f32 v61, v62  }
0x99: {  	s19 =	sadd.s32 $0x1, s19;
	v5 =	vadd.f32 v6, v5;
	v6 =	vmul.f32 v7, v7;
	v7 =	vsub.f32 v60, v63  }
0x9a: {  	p0 =	sne.s32 s19, $0x10;
	v8 =	vperm.xlane v8, v4  }
.Ltmp4:
0x9b: {  	v5 =	vadd.f32 v6, v5;
	v6 =	vmul.f32 v7, v7;
	(pc) =	sbr.rel @p0 .LBB2_5-.Ltmp4, $3  }
0x9c: {  	v7 =	vsel vm1, $0x0, v8  }
0x9d: {  	v5 =	vadd.f32 v6, v5;
	v6 =	vmul.f32 v7, v7;
	_ =	sdelay $0x1  }
0x9e: {  	s23 =	sadd.s32 $0x400, s23;
	s22 =	sadd.s32 $0x1, s22;
	v5 =	vadd.f32 v6, v5  }
0x9f: {  	s22 =	sshll.u32 s21, $0x1;
	p0 =	seq.s32 s21, $0x6  }
0xa0: {  	s7 =	sadd.s32 @!p0 $0x2, s22  }
0xa1: {  	s9 =	sshll.u32 @!p0 s7, $0xE  }
0xa2: {  	s9 =	sadd.s32 @!p0 s10, s9  }
0xa3: {  	s11 =	simm.s32 @!p0 $0x0;
	s7 =	sshll.u32 @!p0 s7, $0x7;
	s9 =	sshrl.u32 @!p0 s9, $0x3  }
0xa4: {  	[tilespmem:$0x10800] =	vst v5;
	s12 =	simm.s32 @!p0 $0x800;
	s7 =	sand.u32 @!p0 $0x3FFFFF80, s7;
	s9 =	sadd.s32 @!p0 s1, s9  }
0xa5: {  	[tilespmem:s12], [sflag:$0x1] =	stream.linear.gather @!p0 [hbm4b:s9+s11], $0x4000, $0x38;
	[tilespmem:$0x10880] =	vst v63  }
0xa6: {  	v5 =	vld @!p0 [tilespmem:s7+$0x0];
	_ =	sdelay $0x4  }
0xa7: {  	v6 =	vshll.u32 @!p0 v5, $0x3  }
0xa8: {  	v7 =	vlaneseq.u32 @!p0;
	v5 =	vand.u32 @!p0 $0x7, v5;
	v6 =	vand.u32 @!p0 $0xFFFFFFC0, v6  }
0xa9: {  	v8 =	vshrl.u32 @!p0 v7, $0x3;
	v5 =	vor.u32 @!p0 v5, v6;
	v6 =	vand.u32 @!p0 $0x7, v7  }
0xaa: {  	v8 =	vmul.u32 @!p0 $0x8, v8;
	v6 =	vperm.xlane @!p0 v5, v6;
	_ =	sdelay $0x1  }
0xab: {  	v6 =	vadd.s32 @!p0 v8, v6;
	_ =	sdelay $0x3  }
0xac: {  	vm2 =	vmmov @!p0 $0xffff;
	s7 =	simm.s32 @!p0 $0x8800  }
0xad: {  	v7 =	vor.u32 @!p0 $0x8, v7;
	[tilespmem:s7], [sflag:$0x3] =	stream.indirect_vreg.gather @!p0 [hbm4b:s4+s11], $0x80, v6, vm2, $0xb8;
	[tilespmem:$0x10880] =	vst v63  }
0xae: {  	v5 =	vperm.xlane @!p0 v5, v7;
	s7 =	simm.s32 @!p0 $0x9000  }
0xaf: {  	[tilespmem:s7], [sflag:$0x3] =	stream.indirect_vreg.gather @!p0 [hbm4b:s5+s11], $0x80, v6, vm2, $0xb8;
	[tilespmem:$0x10880] =	vst v63  }
0xb0: {  	v5 =	vadd.s32 @!p0 v8, v5;
	s7 =	simm.s32 @!p0 $0x9800  }
0xb1: {  	[tilespmem:s7], [sflag:$0x3] =	stream.indirect_vreg.gather @!p0 [hbm4b:s6+s11], $0x80, v6, vm2, $0xb8;
	[tilespmem:$0x10880] =	vst v63  }
0xb2: {  	s7 =	simm.s32 @!p0 $0xA000  }
0xb3: {  	[tilespmem:s7], [sflag:$0x3] =	stream.indirect_vreg.gather @!p0 [hbm4b:s8+s11], $0x80, v6, vm2, $0xb8;
	[tilespmem:$0x10880] =	vst v63  }
0xb4: {  	s7 =	simm.s32 @!p0 $0xA800  }
0xb5: {  	[tilespmem:s7], [sflag:$0x3] =	stream.indirect_vreg.gather @!p0 [hbm4b:s4+s11], $0x80, v5, vm2, $0xb8;
	[tilespmem:$0x10880] =	vst v63  }
0xb6: {  	s7 =	simm.s32 @!p0 $0xB000  }
0xb7: {  	[tilespmem:s7], [sflag:$0x3] =	stream.indirect_vreg.gather @!p0 [hbm4b:s5+s11], $0x80, v5, vm2, $0xb8;
	[tilespmem:$0x10880] =	vst v63  }
0xb8: {  	s7 =	simm.s32 @!p0 $0xB800  }
0xb9: {  	[tilespmem:s7], [sflag:$0x3] =	stream.indirect_vreg.gather @!p0 [hbm4b:s6+s11], $0x80, v5, vm2, $0xb8;
	[tilespmem:$0x10880] =	vst v63  }
0xba: {  	s7 =	simm.s32 @!p0 $0xC000  }
0xbb: {  	[tilespmem:s7], [sflag:$0x3] =	stream.indirect_vreg.gather @!p0 [hbm4b:s8+s11], $0x80, v5, vm2, $0xb8;
	[tilespmem:$0x10880] =	vst v63  }
0xbc: {  	_ =	swait.ge [sflag:s17], $0x4000  }
0xbd: {  	[sflag:s17] =	ssyncset.done $0x0  }
0xbe: {  	[sflag:s17] =	ssyncadd.s32 $0xFFFFC000  }
0xbf: {  	_ =	swait.ge [sflag:s18], $0x4000  }
0xc0: {  	[sflag:s18] =	ssyncset.done $0x0  }
0xc1: {  	[sflag:s18] =	ssyncadd.s32 $0xFFFFC000  }
0xc2: {  	s23 =	simm.s32 $0x0;
	s19 =	simm.s32 $0x0;
	s9 =	simm.s32 $0x0;
	v5 =	vld [tilespmem:$0x10800]  }
.LBB2_9:
0xc3: {  	s7 =	sshll.u32 s19, $0x2;
	s11 =	sand.u32 $0x7, s23  }
0xc4: {  	s7 =	sand.u32 $0xFFFF8000, s7;
	s11 =	sshll.u32 s11, $0x9  }
0xc5: {  	s7 =	sor.u32 s11, s7  }
0xc6: {  	s7 =	sshrl.u32 s7, $0x2  }
0xc7: {  	s24 =	sadd.s32 $0x4840, s7  }
0xc8: {  	s11 =	sadd.s32 $0xC840, s7;
	v6 =	vld [tilespmem:s24+$0xFFFFFFC0]  }
0xc9: {  	v7 =	vld [tilespmem:s11+$0xFFFFFFC0]  }
0xca: {  	v8 =	vld [tilespmem:s24+$0xFFFFFFD0]  }
0xcb: {  	v9 =	vld [tilespmem:s11+$0xFFFFFFD0]  }
0xcc: {  	v10 =	vld [tilespmem:s24+$0xFFFFFFE0]  }
0xcd: {  	v11 =	vld [tilespmem:s11+$0xFFFFFFE0]  }
0xce: {  	v12 =	vld [tilespmem:s24+$0xFFFFFFF0];
	v6 =	vsub.f32 v6, v7  }
0xcf: {  	v13 =	vld [tilespmem:s11+$0xFFFFFFF0]  }
0xd0: {  	v14 =	vld [tilespmem:s24+$0x0];
	v8 =	vsub.f32 v8, v9;
	v6 =	vmul.f32 v6, v6  }
0xd1: {  	v9 =	vld [tilespmem:s11+$0x0]  }
0xd2: {  	v7 =	vld [tilespmem:s24+$0x10];
	v11 =	vsub.f32 v10, v11;
	v8 =	vmul.f32 v8, v8;
	v6 =	vadd.f32 v6, v5  }
0xd3: {  	v10 =	vld [tilespmem:s11+$0x10]  }
0xd4: {  	v12 =	vsub.f32 v12, v13;
	v11 =	vmul.f32 v11, v11;
	v5 =	vld [tilespmem:s24+$0x20];
	v15 =	vadd.f32 v8, v6  }
0xd5: {  	v8 =	vld [tilespmem:s11+$0x20]  }
0xd6: {  	s12 =	sshll.u32 s9, $0xA;
	s20 =	sshll.u32 s9, $0x7;
	v12 =	vmul.f32 v12, v12;
	v13 =	vsub.f32 v14, v9;
	v9 =	vld [tilespmem:s11+$0x30];
	v11 =	vadd.f32 v11, v15  }
0xd7: {  	s7 =	sand.u32 $0x380, s20;
	s20 =	simm.s32 $0x0;
	v6 =	vld [tilespmem:s24+$0x30];
	s24 =	sadd.s32 $0x400, s24  }
.LBB2_10:
0xd8: {  	v14 =	vld [tilespmem:s24+$0xFFFFFFC0];
	v11 =	vadd.f32 v12, v11;
	v12 =	vmul.f32 v13, v13;
	v7 =	vsub.f32 v7, v10;
	s11 =	sadd.s32 $0x400, s11  }
0xd9: {  	s20 =	sadd.s32 $0x8, s20;
	v10 =	vld [tilespmem:s11+$0xFFFFFFC0]  }
0xda: {  	p1 =	slt.u32 s20, $0x30;
	v13 =	vld [tilespmem:s24+$0xFFFFFFD0];
	v11 =	vadd.f32 v12, v11;
	v7 =	vmul.f32 v7, v7;
	v5 =	vsub.f32 v5, v8  }
0xdb: {  	v8 =	vld [tilespmem:s11+$0xFFFFFFD0]  }
0xdc: {  	v12 =	vld [tilespmem:s24+$0xFFFFFFE0];
	v7 =	vadd.f32 v7, v11;
	v5 =	vmul.f32 v5, v5;
	v6 =	vsub.f32 v6, v9  }
0xdd: {  	v9 =	vld [tilespmem:s11+$0xFFFFFFE0]  }
0xde: {  	v10 =	vsub.f32 v14, v10;
	v11 =	vld [tilespmem:s24+$0xFFFFFFF0];
	v5 =	vadd.f32 v5, v7;
	v6 =	vmul.f32 v6, v6  }
0xdf: {  	v14 =	vld [tilespmem:s11+$0xFFFFFFF0]  }
0xe0: {  	v7 =	vmul.f32 v10, v10;
	v8 =	vsub.f32 v13, v8;
	v13 =	vld [tilespmem:s24+$0x0];
	v5 =	vadd.f32 v6, v5  }
0xe1: {  	v6 =	vld [tilespmem:s11+$0x0]  }
0xe2: {  	v5 =	vadd.f32 v7, v5;
	v8 =	vmul.f32 v8, v8;
	v9 =	vsub.f32 v12, v9;
	v7 =	vld [tilespmem:s24+$0x10]  }
.Ltmp5:
0xe3: {  	v10 =	vld [tilespmem:s11+$0x10];
	(pc) =	sbr.rel @p1 .LBB2_10-.Ltmp5, $4  }
0xe4: {  	v12 =	vadd.f32 v8, v5;
	v9 =	vmul.f32 v9, v9;
	v14 =	vsub.f32 v11, v14;
	v5 =	vld [tilespmem:s24+$0x20]  }
0xe5: {  	v8 =	vld [tilespmem:s11+$0x20]  }
0xe6: {  	v11 =	vadd.f32 v9, v12;
	v12 =	vmul.f32 v14, v14;
	v13 =	vsub.f32 v13, v6;
	v6 =	vld [tilespmem:s24+$0x30]  }
0xe7: {  	s24 =	sadd.s32 $0x400, s24;
	v9 =	vld [tilespmem:s11+$0x30]  }
0xe8: {  	s7 =	sor.u32 s12, s7  }
0xe9: {  	s11 =	sor.u32 $0x1C00, s7  }
0xea: {  	v14 =	vld [tilespmem:s11+$0x4800]  }
0xeb: {  	s20 =	sor.u32 $0x1C10, s7;
	v15 =	vld [tilespmem:s11+$0xC800]  }
0xec: {  	v11 =	vadd.f32 v12, v11;
	v51 =	vmul.f32 v13, v13;
	v7 =	vsub.f32 v7, v10;
	v52 =	vld [tilespmem:s20+$0x4800]  }
0xed: {  	s24 =	sor.u32 $0x1C20, s7;
	v53 =	vld [tilespmem:s20+$0xC800]  }
0xee: {  	v11 =	vadd.f32 v51, v11;
	v7 =	vmul.f32 v7, v7;
	v5 =	vsub.f32 v5, v8;
	v54 =	vld [tilespmem:s24+$0x4800]  }
0xef: {  	s12 =	sor.u32 $0x1C30, s7;
	v55 =	vld [tilespmem:s24+$0xC800]  }
0xf0: {  	v56 =	vld [tilespmem:s12+$0x4800];
	v7 =	vadd.f32 v7, v11;
	v5 =	vmul.f32 v5, v5;
	v6 =	vsub.f32 v6, v9  }
0xf1: {  	v57 =	vld [tilespmem:s12+$0xC800];
	s20 =	sor.u32 $0x1C40, s7  }
0xf2: {  	v58 =	vld [tilespmem:s20+$0x4800];
	v5 =	vadd.f32 v5, v7;
	v6 =	vmul.f32 v6, v6;
	v7 =	vsub.f32 v14, v15  }
0xf3: {  	s24 =	sor.u32 $0x1C50, s7;
	v59 =	vld [tilespmem:s20+$0xC800]  }
0xf4: {  	s7 =	sor.u32 $0x1C60, s7;
	v60 =	vld [tilespmem:s24+$0x4800];
	v5 =	vadd.f32 v6, v5;
	v6 =	vmul.f32 v7, v7;
	v7 =	vsub.f32 v52, v53  }
0xf5: {  	v61 =	vld.msk [tilespmem:s7+$0x4800], $0xff  }
0xf6: {  	v62 =	vld.msk [tilespmem:s7+$0xC800], $0xff;
	v5 =	vadd.f32 v6, v5;
	v6 =	vmul.f32 v7, v7;
	v7 =	vsub.f32 v54, v55  }
0xf7: {  	v63 =	vld [tilespmem:s24+$0xC800]  }
0xf8: {  	v5 =	vadd.f32 v6, v5;
	v6 =	vsub.f32 v56, v57;
	v7 =	vmul.f32 v7, v7;
	_ =	sdelay $0x1  }
0xf9: {  	v5 =	vadd.f32 v7, v5;
	v6 =	vmul.f32 v6, v6;
	v7 =	vsub.f32 v58, v59  }
0xfa: {  	v8 =	vsub.f32 v61, v62  }
0xfb: {  	s9 =	sadd.s32 $0x1, s9;
	v5 =	vadd.f32 v6, v5;
	v6 =	vmul.f32 v7, v7;
	v7 =	vsub.f32 v60, v63  }
0xfc: {  	p1 =	sne.s32 s9, $0x10;
	v8 =	vperm.xlane v8, v4  }
.Ltmp6:
0xfd: {  	v5 =	vadd.f32 v6, v5;
	v6 =	vmul.f32 v7, v7;
	(pc) =	sbr.rel @p1 .LBB2_9-.Ltmp6, $3  }
0xfe: {  	v7 =	vsel vm1, $0x0, v8  }
0xff: {  	v5 =	vadd.f32 v6, v5;
	v6 =	vmul.f32 v7, v7;
	_ =	sdelay $0x1  }
0x100: {  	s19 =	sadd.s32 $0x400, s19;
	s23 =	sadd.s32 $0x1, s23;
	v5 =	vadd.f32 v6, v5  }
.Ltmp7:
0x101: {  	(pc) =	sbr.rel @p0 .LBB2_14-.Ltmp7, $2  }
0x102: {  	_ =	sdelay $0x2  }
0x103: {  	[tilespmem:$0x10800] =	vst v5  }
0x104: {  	s7 =	sadd.s32 $0x3, s22  }
0x105: {  	s9 =	sshll.u32 s7, $0xE  }
0x106: {  	s9 =	sadd.s32 s10, s9  }
0x107: {  	s7 =	sshll.u32 s7, $0x7;
	s9 =	sshrl.u32 s9, $0x3  }
0x108: {  	s11 =	simm.s32 $0x4800;
	s7 =	sand.u32 $0x3FFFFF80, s7;
	s9 =	sadd.s32 s1, s9  }
0x109: {  	[tilespmem:s11], [sflag:$0x2] =	stream.linear.gather [hbm4b:s9+s3], $0x4000, $0x38;
	[tilespmem:$0x10880] =	vst v63  }
0x10a: {  	v5 =	vld [tilespmem:s7+$0x0];
	_ =	sdelay $0x4  }
0x10b: {  	v6 =	vshll.u32 v5, $0x3  }
0x10c: {  	v5 =	vand.u32 $0x7, v5;
	v6 =	vand.u32 $0xFFFFFFC0, v6  }
0x10d: {  	v5 =	vor.u32 v5, v6  }
0x10e: {  	v6 =	vperm.xlane v5, v1;
	_ =	sdelay $0x1  }
0x10f: {  	v6 =	vadd.s32 v2, v6;
	_ =	sdelay $0x4  }
0x110: {  	[tilespmem:s25], [sflag:$0x4] =	stream.indirect_vreg.gather [hbm4b:s4+s3], $0x80, v6, vm0, $0xb8;
	[tilespmem:$0x10880] =	vst v63  }
0x111: {  	v5 =	vperm.xlane v5, v3  }
0x112: {  	[tilespmem:s26], [sflag:$0x4] =	stream.indirect_vreg.gather [hbm4b:s5+s3], $0x80, v6, vm0, $0xb8;
	[tilespmem:$0x10880] =	vst v63  }
0x113: {  	v5 =	vadd.s32 v2, v5  }
0x114: {  	[tilespmem:s28], [sflag:$0x4] =	stream.indirect_vreg.gather [hbm4b:s6+s3], $0x80, v6, vm0, $0xb8;
	[tilespmem:$0x10880] =	vst v63  }
0x115: {  	_ = 	snop  }
0x116: {  	[tilespmem:s29], [sflag:$0x4] =	stream.indirect_vreg.gather [hbm4b:s8+s3], $0x80, v6, vm0, $0xb8;
	[tilespmem:$0x10880] =	vst v63  }
0x117: {  	_ = 	snop  }
0x118: {  	[tilespmem:s30], [sflag:$0x4] =	stream.indirect_vreg.gather [hbm4b:s4+s3], $0x80, v5, vm0, $0xb8;
	[tilespmem:$0x10880] =	vst v63  }
0x119: {  	_ = 	snop  }
0x11a: {  	[tilespmem:s31], [sflag:$0x4] =	stream.indirect_vreg.gather [hbm4b:s5+s3], $0x80, v5, vm0, $0xb8;
	[tilespmem:$0x10880] =	vst v63  }
.Ltmp8:
0x11b: {  	_ = 	snop;
	(pc) =	sbr.rel .LBB2_4-.Ltmp8, $4  }
0x11c: {  	_ = 	snop  }
0x11d: {  	[tilespmem:s0], [sflag:$0x4] =	stream.indirect_vreg.gather [hbm4b:s6+s3], $0x80, v5, vm0, $0xb8;
	[tilespmem:$0x10880] =	vst v63  }
0x11e: {  	s21 =	sadd.s32 $0x1, s21  }
0x11f: {  	[tilespmem:s2], [sflag:$0x4] =	stream.indirect_vreg.gather [hbm4b:s8+s3], $0x80, v5, vm0, $0xb8;
	[tilespmem:$0x10880] =	vst v63  }
.LBB2_15:
0x120: {  	_ =	sfence.sel $0x180000  }
0x121: {  	[bflag:$0x0] =	sbarrier.arrive $0xFFFF  }
0x122: {  	_ =	strace $0x90000047  }
0x123: {  	s0 =	stileid.u32;
	[bflag:$0x2] =	sbarrier.arrive $0xFFFF  }
0x124: {  	p0 =	sne.s32 s0, $0x0;
	s0 =	rddreg [dreg:$0x2]  }
0x125: {  	s0 =	sadd.s32 @!p0 $0x100000, s0  }
0x126: {  	[sflag:s0] =	ssyncadd.tile.s32 @!p0 $0x1;
	_ =	shalt  }
.Lfunc_end2:
_tile_overlayer_lowered:
.L_overlay_start_2:
0x127: {  	(tag) =	ssettag $0x2  }
0x128: {  	s0 =	rddreg [dreg:$0x0];
	s2 =	stileid.u32  }
0x129: {  	s1 =	rddreg [dreg:$0x1];
	p0 =	sne.s32 s2, $0x0  }
0x12a: {  	s3 =	rddreg [dreg:$0x2];
	[bflag:$0x3] =	sbarrier.arrive $0xFFFF;
	s2 =	simm.s32 @!p0 $0x1C05  }
0x12b: {  	[timem:s3], [sflag:s2] =	dma.local @!p0 [hbm:s0], s1  }
0x12c: {  	s0 =	simm.s32 @!p0 $0x5  }
0x12d: {  	_ =	swait.ge @!p0 [sflag:s0], s1  }
0x12e: {  	s1 =	ssub.s32 @!p0 $0x0, s1;
	[sflag:s0] =	ssyncset.done @!p0 $0x0  }
0x12f: {  	[sflag:s0] =	ssyncadd.s32 @!p0 s1  }
0x130: {  	[bflag:$0x3] =	sbarrier.arrive $0xFFFF  }
0x131: {  	_ =	shalt  }

</sc_bundles>
